<compile_context>
chip_gen: v7x
topology: tpu7x:2x2x1
jax: 0.10.2.dev20260603
libtpu: 0.0.44.dev20260713+nightly
codegen_flags: <defaults>
</compile_context>

<pallas_src>
import jax
import jax.numpy as jnp
from jax.experimental import pallas as pl
from jax.experimental.pallas import tpu as pltpu
from jax.experimental.pallas import tpu_sc as plsc

_NH = 16
_NB = 32
_Q = 2048
_K = 2048
_THR = (8, 12, 16, 23, 32, 46, 64, 91)

_NP = 136
_LAW = 4096
_EXT = 4352
_NHW = 2
_QSL = 512
_BLK = 8
_NBLK = _QSL // _BLK


_RPS = 4


def _la_kernel(table_ref, la_ref, lext_ref, u_ref, sems):
    g = pl.program_id(0)
    par = jax.lax.rem(g, 2)

    @pl.when(g == 0)
    def _():
        j = jax.lax.broadcasted_iota(jnp.int32, (1, _EXT), 1)
        d = j - 128 - (_Q - 1)
        a = jnp.abs(d)
        v = jnp.minimum(a, 7)
        for t in _THR:
            v = v + (a >= t).astype(jnp.int32)
        bucket = jnp.where(d > 0, 16, 0) + v
        acc = jnp.zeros((_NH, _EXT), jnp.float32)
        for b in range(_NB):
            col = table_ref[b, :].reshape(_NH, 1)
            acc = jnp.where(bucket == b, col, acc)
        lext_ref[...] = acc

    def cp(par_, i, g_):
        slot = par_ * _RPS + i
        return pltpu.make_async_copy(
            u_ref.at[slot, :, pl.ds(0, _LAW)],
            la_ref.at[:, g_ * _RPS + i, :],
            sems.at[slot],
        )

    @pl.when(g >= 2)
    def _():
        for i in range(_RPS):
            cp(par, i, g - 2).wait()

    for i in range(_RPS):
        p = g * _RPS + i
        shift = jax.lax.rem(jnp.int32(_EXT - 135) + p, jnp.int32(_EXT))
        u_ref[par * _RPS + i] = pltpu.roll(lext_ref[...], shift, 1)
        cp(par, i, g).start()

    @pl.when(g == _NP // _RPS - 1)
    def _():
        for i in range(_RPS):
            cp(1 - par, i, g - 1).wait()
        for i in range(_RPS):
            cp(par, i, g).wait()


def _build_la(table):
    return pl.pallas_call(
        _la_kernel,
        grid=(_NP // _RPS,),
        in_specs=[pl.BlockSpec((_NB, _NH), lambda g: (0, 0))],
        out_specs=pl.BlockSpec(memory_space=pl.ANY),
        out_shape=jax.ShapeDtypeStruct((_NH, _NP, _LAW), jnp.float32),
        scratch_shapes=[
            pltpu.VMEM((_NH, _EXT), jnp.float32),
            pltpu.VMEM((2 * _RPS, _NH, _EXT), jnp.float32),
            pltpu.SemaphoreType.DMA((2 * _RPS,)),
        ],
    )(table)


def _sc_expand(la):
    @pl.kernel(
        out_type=jax.ShapeDtypeStruct((_NH, _Q, _K), jnp.float32),
        mesh=plsc.VectorSubcoreMesh(core_axis_name="c", subcore_axis_name="s"),
        scratch_types=[
            pltpu.VMEM((3, _NHW, _BLK, _K), jnp.float32),
            pltpu.SemaphoreType.DMA((3,)),
            pltpu.SemaphoreType.DMA((3,)),
        ],
        compiler_params=pltpu.CompilerParams(use_tc_tiling_on_sc=True),
    )
    def body(la_hbm, out_hbm, st_ref, sst, sout):
        w = jax.lax.axis_index("c") * 16 + jax.lax.axis_index("s")
        h0 = jax.lax.div(w, 4) * _NHW
        q0 = jax.lax.rem(w, 4) * _QSL

        def stage_cp(buf, qb):
            s0 = (_Q - 1) - qb
            c2 = jax.lax.div(s0 + 120, 128)
            p0x8 = jax.lax.div(c2 * 128 + 7 - s0, 8) * 8
            return pltpu.make_async_copy(
                la_hbm.at[pl.ds(h0, _NHW), pl.ds(p0x8, _BLK),
                          pl.ds(c2 * 128, _K)],
                st_ref.at[buf],
                sst.at[buf],
            )

        def out_cp(buf, qb):
            return pltpu.make_async_copy(
                st_ref.at[buf],
                out_hbm.at[pl.ds(h0, _NHW), pl.ds(qb, _BLK), :],
                sout.at[buf],
            )

        def qb_of(bb):
            return (jax.lax.div(q0, _BLK) + bb) * _BLK

        stage_cp(jnp.int32(0), qb_of(jnp.int32(0))).start()

        @pl.loop(0, _NBLK)
        def _(b):
            buf = jax.lax.rem(b, 3)
            bufn = jax.lax.rem(b + 1, 3)

            @pl.when(b >= 2)
            def _():
                out_cp(bufn, qb_of(b - 2)).wait()

            @pl.when(b + 1 < _NBLK)
            def _():
                stage_cp(bufn, qb_of(b + 1)).start()

            stage_cp(buf, qb_of(b)).wait()
            out_cp(buf, qb_of(b)).start()

        for b in (_NBLK - 2, _NBLK - 1):
            out_cp(jnp.int32(b % 3), qb_of(jnp.int32(b))).wait()

    return body(la)


def kernel(x, table):
    del x
    return _sc_expand(_build_la(table))

# --- scband reference (transcript-rebuilt; emitter-appended) ---
"""Pipeline reference for scband-t5-rpe-13915694039147 (READ-ONLY COPY).

The authoritative reference and input builder live on the scoring server;
editing this copy changes nothing except your own understanding.
"""

import jax, jax.numpy as jnp
import numpy as np
import math

NUM_BUCKETS = 32
MAX_DISTANCE = 128
NHEADS = 16
BIDIRECTIONAL = True


def setup_inputs(seed: int = 0) -> dict:
    key = jax.random.key(seed)
    k1, k2 = jax.random.split(key)
    x = jax.random.normal(k1, (1, NHEADS, 2048, 2048), dtype=jnp.float32)
    table = jax.random.normal(k2, (NUM_BUCKETS, NHEADS), dtype=jnp.float32) * 0.02
    return {"x": x, "table": table}


def _relative_position_bucket(relative_position, bidirectional=True, num_buckets=32, max_distance=128):
    relative_buckets = jnp.zeros_like(relative_position)
    if bidirectional:
        num_buckets //= 2
        relative_buckets = relative_buckets + (relative_position > 0).astype(jnp.int32) * num_buckets
        relative_position = jnp.abs(relative_position)
    else:
        relative_position = -jnp.minimum(relative_position, jnp.zeros_like(relative_position))
    max_exact = num_buckets // 2
    is_small = relative_position < max_exact
    # clamp to >=1 before log to avoid -inf; masked out by is_small anyway (rp<8 handled by small branch)
    rp_float = jnp.maximum(relative_position.astype(jnp.float32), 1.0)
    relative_position_if_large = max_exact + (
        jnp.log(rp_float / max_exact) / math.log(max_distance / max_exact) * (num_buckets - max_exact)
    ).astype(jnp.int32)
    relative_position_if_large = jnp.minimum(
        relative_position_if_large, jnp.full_like(relative_position_if_large, num_buckets - 1)
    )
    relative_buckets = relative_buckets + jnp.where(is_small, relative_position, relative_position_if_large)
    return relative_buckets


def reference(x, table):
    query_length = x.shape[2]
    key_length = x.shape[3]
    context_position = jnp.arange(query_length, dtype=jnp.int32)[:, None]
    memory_position = jnp.arange(key_length, dtype=jnp.int32)[None, :]
    relative_position = memory_position - context_position
    relative_position_bucket = _relative_position_bucket(
        relative_position, bidirectional=BIDIRECTIONAL, num_buckets=NUM_BUCKETS, max_distance=MAX_DISTANCE
    )
    values = jnp.take(table, relative_position_bucket, axis=0)  # [Q, K, NH]
    values = jnp.transpose(values, (2, 0, 1))  # [NH, Q, K]
    return values

if __name__ == "__main__":
    import jax
    _d = setup_inputs()
    print(jax.jit(kernel)(*tuple(_d.values())))

</pallas_src>

<mosaic_0001>
#map = affine_map<(d0, d1) -> (0, 0, 0)>
module attributes {stable_mosaic.version = 14 : i64} {
  func.func @body(%arg0: i32, %arg1: i32, %arg2: memref<16x136x4096xf32, #tpu.memory_space<hbm>>, %arg3: memref<16x2048x2048xf32, #tpu.memory_space<hbm>>, %arg4: memref<3x2x8x2048xf32, #tpu.memory_space<vmem>>, %arg5: memref<3x!tpu.dma_semaphore, #tpu.memory_space<semaphore_mem>>, %arg6: memref<3x!tpu.dma_semaphore, #tpu.memory_space<semaphore_mem>>) attributes {dimension_semantics = [#tpu.dimension_semantics<core_parallel>, #tpu.dimension_semantics<subcore_parallel>], iteration_bounds = array<i64: 2, 16>, scalar_prefetch = 0 : i64, scratch_operands = 3 : i64, tpu.core_type = #tpu.core_type<sc_vector_subcore>, window_params = [{transform_indices = #map}, {transform_indices = #map}]} {
    %mul3A = arith.constant 16 : i32
    %mul3A_0 = arith.muli %arg0, %mul3A : i32
    %add3A = arith.addi %mul3A_0, %arg1 : i32
    %div3A = arith.constant 4 : i32
    %div3A_1 = arith.divsi %add3A, %div3A : i32
    %mul3A_2 = arith.constant 2 : i32
    %mul3A_3 = arith.muli %div3A_1, %mul3A_2 : i32
    %rem3A = arith.constant 4 : i32
    %rem3A_4 = arith.remsi %add3A, %rem3A : i32
    %mul3A_5 = arith.constant 512 : i32
    %mul3A_6 = arith.muli %rem3A_4, %mul3A_5 : i32
    %div3A_7 = arith.constant 8 : i32
    %div3A_8 = arith.divsi %mul3A_6, %div3A_7 : i32
    %add3A_9 = arith.constant 0 : i32
    %add3A_10 = arith.addi %div3A_8, %add3A_9 : i32
    %mul3A_11 = arith.constant 8 : i32
    %mul3A_12 = arith.muli %add3A_10, %mul3A_11 : i32
    %sub3A = arith.constant 2047 : i32
    %sub3A_13 = arith.subi %sub3A, %mul3A_12 : i32
    %add3A_14 = arith.constant 120 : i32
    %add3A_15 = arith.addi %sub3A_13, %add3A_14 : i32
    %div3A_16 = arith.constant 128 : i32
    %div3A_17 = arith.divsi %add3A_15, %div3A_16 : i32
    %mul3A_18 = arith.constant 128 : i32
    %mul3A_19 = arith.muli %div3A_17, %mul3A_18 : i32
    %add3A_20 = arith.constant 7 : i32
    %add3A_21 = arith.addi %mul3A_19, %add3A_20 : i32
    %sub3A_22 = arith.subi %add3A_21, %sub3A_13 : i32
    %div3A_23 = arith.constant 8 : i32
    %div3A_24 = arith.divsi %sub3A_22, %div3A_23 : i32
    %mul3A_25 = arith.constant 8 : i32
    %mul3A_26 = arith.muli %div3A_24, %mul3A_25 : i32
    %mul3A_27 = arith.constant 128 : i32
    %mul3A_28 = arith.muli %div3A_17, %mul3A_27 : i32
    %dma_start3A = arith.constant 0 : i32
    %dma_start3A_29 = arith.constant 0 : i32
    %dma_start3A_30 = arith.constant 0 : i32
    %dma_start3A_31 = arith.constant 0 : i32
    %dma_start3A_32 = arith.constant 0 : i32
    %dma_start3A_33 = tpu.memref_slice %arg4[%dma_start3A, %dma_start3A_30, %dma_start3A_31, %dma_start3A_32] : memref<3x2x8x2048xf32, #tpu.memory_space<vmem>> -> memref<1x2x8x2048xf32, #tpu.memory_space<vmem>>
    %dma_start3A_34 = tpu.memref_squeeze %dma_start3A_33 : memref<1x2x8x2048xf32, #tpu.memory_space<vmem>> -> memref<2x8x2048xf32, #tpu.memory_space<vmem>>
    %dma_start3A_35 = tpu.memref_slice %arg2[%mul3A_3, %mul3A_26, %mul3A_28] : memref<16x136x4096xf32, #tpu.memory_space<hbm>> -> memref<2x8x2048xf32, #tpu.memory_space<hbm>>
    %dma_start3A_36 = tpu.memref_slice %arg5[%dma_start3A_29] : memref<3x!tpu.dma_semaphore, #tpu.memory_space<semaphore_mem>> -> memref<1x!tpu.dma_semaphore, #tpu.memory_space<semaphore_mem>>
    %dma_start3A_37 = tpu.memref_squeeze %dma_start3A_36 : memref<1x!tpu.dma_semaphore, #tpu.memory_space<semaphore_mem>> -> memref<!tpu.dma_semaphore, #tpu.memory_space<semaphore_mem>>
    %dma_start3A_38 = arith.constant 0 : i32
    %dma_start3A_39 = arith.constant 0 : i32
    %dma_start3A_40 = arith.constant 0 : i32
    %dma_start3A_41 = tpu.memref_slice %arg4[%dma_start3A, %dma_start3A_38, %dma_start3A_39, %dma_start3A_40] : memref<3x2x8x2048xf32, #tpu.memory_space<vmem>> -> memref<1x2x8x2048xf32, #tpu.memory_space<vmem>>
    %dma_start3A_42 = tpu.memref_squeeze %dma_start3A_41 : memref<1x2x8x2048xf32, #tpu.memory_space<vmem>> -> memref<2x8x2048xf32, #tpu.memory_space<vmem>>
    %dma_start3A_43 = tpu.memref_slice %arg2[%mul3A_3, %mul3A_26, %mul3A_28] : memref<16x136x4096xf32, #tpu.memory_space<hbm>> -> memref<2x8x2048xf32, #tpu.memory_space<hbm>>
    tpu.enqueue_dma source(%dma_start3A_43 : memref<2x8x2048xf32, #tpu.memory_space<hbm>>) target(%dma_start3A_42 : memref<2x8x2048xf32, #tpu.memory_space<vmem>>) target_semaphore(%dma_start3A_37 : memref<!tpu.dma_semaphore, #tpu.memory_space<semaphore_mem>>)
    %scan3A = arith.constant 0 : i32
    %scan3A_44 = arith.constant 64 : i32
    %scan3A_45 = arith.addi %scan3A, %scan3A_44 : i32
    %scan3A_46 = arith.constant 1 : i32
    scf.for %scan3A_95 = %scan3A to %scan3A_45 step %scan3A_46  : i32 {
      %mul3A_96 = arith.constant 1 : i32
      %mul3A_97 = arith.muli %scan3A_95, %mul3A_96 : i32
      %add3A_98 = arith.constant 0 : i32
      %add3A_99 = arith.addi %add3A_98, %mul3A_97 : i32
      %rem3A_100 = arith.constant 3 : i32
      %rem3A_101 = arith.remsi %add3A_99, %rem3A_100 : i32
      %add3A_102 = arith.constant 1 : i32
      %add3A_103 = arith.addi %add3A_99, %add3A_102 : i32
      %rem3A_104 = arith.constant 3 : i32
      %rem3A_105 = arith.remsi %add3A_103, %rem3A_104 : i32
      %ge3A = arith.constant 2 : i32
      %ge3A_106 = arith.cmpi sge, %add3A_99, %ge3A : i32
      %convert_element_type3A = arith.extui %ge3A_106 : i1 to i32
      %cond3A = arith.constant 0 : i32
      %cond3A_107 = arith.cmpi ne, %convert_element_type3A, %cond3A : i32
      scf.if %cond3A_107 {
        %sub3A_171 = arith.constant 2 : i32
        %sub3A_172 = arith.subi %add3A_99, %sub3A_171 : i32
        %div3A_173 = arith.constant 8 : i32
        %div3A_174 = arith.divsi %mul3A_6, %div3A_173 : i32
        %add3A_175 = arith.addi %div3A_174, %sub3A_172 : i32
        %mul3A_176 = arith.constant 8 : i32
        %mul3A_177 = arith.muli %add3A_175, %mul3A_176 : i32
        %dma_wait3A_178 = arith.constant 0 : i32
        %dma_wait3A_179 = arith.constant 0 : i32
        %dma_wait3A_180 = arith.constant 0 : i32
        %dma_wait3A_181 = tpu.memref_slice %arg4[%rem3A_105, %dma_wait3A_178, %dma_wait3A_179, %dma_wait3A_180] : memref<3x2x8x2048xf32, #tpu.memory_space<vmem>> -> memref<1x2x8x2048xf32, #tpu.memory_space<vmem>>
        %dma_wait3A_182 = tpu.memref_squeeze %dma_wait3A_181 : memref<1x2x8x2048xf32, #tpu.memory_space<vmem>> -> memref<2x8x2048xf32, #tpu.memory_space<vmem>>
        %dma_wait3A_183 = arith.constant 0 : i32
        %dma_wait3A_184 = tpu.memref_slice %arg3[%mul3A_3, %mul3A_177, %dma_wait3A_183] : memref<16x2048x2048xf32, #tpu.memory_space<hbm>> -> memref<2x8x2048xf32, #tpu.memory_space<hbm>>
        %dma_wait3A_185 = tpu.memref_slice %arg6[%rem3A_105] : memref<3x!tpu.dma_semaphore, #tpu.memory_space<semaphore_mem>> -> memref<1x!tpu.dma_semaphore, #tpu.memory_space<semaphore_mem>>
        %dma_wait3A_186 = tpu.memref_squeeze %dma_wait3A_185 : memref<1x!tpu.dma_semaphore, #tpu.memory_space<semaphore_mem>> -> memref<!tpu.dma_semaphore, #tpu.memory_space<semaphore_mem>>
        %dma_wait3A_187 = arith.constant 0 : i32
        %dma_wait3A_188 = tpu.memref_slice %arg3[%mul3A_3, %mul3A_177, %dma_wait3A_187] : memref<16x2048x2048xf32, #tpu.memory_space<hbm>> -> memref<2x8x2048xf32, #tpu.memory_space<hbm>>
        %dma_wait3A_189 = arith.constant 0 : i32
        %dma_wait3A_190 = arith.constant 0 : i32
        %dma_wait3A_191 = arith.constant 0 : i32
        %dma_wait3A_192 = tpu.memref_slice %arg4[%rem3A_105, %dma_wait3A_189, %dma_wait3A_190, %dma_wait3A_191] : memref<3x2x8x2048xf32, #tpu.memory_space<vmem>> -> memref<1x2x8x2048xf32, #tpu.memory_space<vmem>>
        %dma_wait3A_193 = tpu.memref_squeeze %dma_wait3A_192 : memref<1x2x8x2048xf32, #tpu.memory_space<vmem>> -> memref<2x8x2048xf32, #tpu.memory_space<vmem>>
        tpu.wait_dma2 semaphore(%dma_wait3A_186 : memref<!tpu.dma_semaphore, #tpu.memory_space<semaphore_mem>>) src(%dma_wait3A_193 : memref<2x8x2048xf32, #tpu.memory_space<vmem>>) dst(%dma_wait3A_188 : memref<2x8x2048xf32, #tpu.memory_space<hbm>>)
      } else {
      }
      %add3A_108 = arith.constant 1 : i32
      %add3A_109 = arith.addi %add3A_99, %add3A_108 : i32
      %lt3A = arith.constant 64 : i32
      %lt3A_110 = arith.cmpi slt, %add3A_109, %lt3A : i32
      %convert_element_type3A_111 = arith.extui %lt3A_110 : i1 to i32
      %cond3A_112 = arith.constant 0 : i32
      %cond3A_113 = arith.cmpi ne, %convert_element_type3A_111, %cond3A_112 : i32
      scf.if %cond3A_113 {
        %add3A_171 = arith.constant 1 : i32
        %add3A_172 = arith.addi %add3A_99, %add3A_171 : i32
        %div3A_173 = arith.constant 8 : i32
        %div3A_174 = arith.divsi %mul3A_6, %div3A_173 : i32
        %add3A_175 = arith.addi %div3A_174, %add3A_172 : i32
        %mul3A_176 = arith.constant 8 : i32
        %mul3A_177 = arith.muli %add3A_175, %mul3A_176 : i32
        %sub3A_178 = arith.constant 2047 : i32
        %sub3A_179 = arith.subi %sub3A_178, %mul3A_177 : i32
        %add3A_180 = arith.constant 120 : i32
        %add3A_181 = arith.addi %sub3A_179, %add3A_180 : i32
        %div3A_182 = arith.constant 128 : i32
        %div3A_183 = arith.divsi %add3A_181, %div3A_182 : i32
        %mul3A_184 = arith.constant 128 : i32
        %mul3A_185 = arith.muli %div3A_183, %mul3A_184 : i32
        %add3A_186 = arith.constant 7 : i32
        %add3A_187 = arith.addi %mul3A_185, %add3A_186 : i32
        %sub3A_188 = arith.subi %add3A_187, %sub3A_179 : i32
        %div3A_189 = arith.constant 8 : i32
        %div3A_190 = arith.divsi %sub3A_188, %div3A_189 : i32
        %mul3A_191 = arith.constant 8 : i32
        %mul3A_192 = arith.muli %div3A_190, %mul3A_191 : i32
        %mul3A_193 = arith.constant 128 : i32
        %mul3A_194 = arith.muli %div3A_183, %mul3A_193 : i32
        %dma_start3A_195 = arith.constant 0 : i32
        %dma_start3A_196 = arith.constant 0 : i32
        %dma_start3A_197 = arith.constant 0 : i32
        %dma_start3A_198 = tpu.memref_slice %arg4[%rem3A_105, %dma_start3A_195, %dma_start3A_196, %dma_start3A_197] : memref<3x2x8x2048xf32, #tpu.memory_space<vmem>> -> memref<1x2x8x2048xf32, #tpu.memory_space<vmem>>
        %dma_start3A_199 = tpu.memref_squeeze %dma_start3A_198 : memref<1x2x8x2048xf32, #tpu.memory_space<vmem>> -> memref<2x8x2048xf32, #tpu.memory_space<vmem>>
        %dma_start3A_200 = tpu.memref_slice %arg2[%mul3A_3, %mul3A_192, %mul3A_194] : memref<16x136x4096xf32, #tpu.memory_space<hbm>> -> memref<2x8x2048xf32, #tpu.memory_space<hbm>>
        %dma_start3A_201 = tpu.memref_slice %arg5[%rem3A_105] : memref<3x!tpu.dma_semaphore, #tpu.memory_space<semaphore_mem>> -> memref<1x!tpu.dma_semaphore, #tpu.memory_space<semaphore_mem>>
        %dma_start3A_202 = tpu.memref_squeeze %dma_start3A_201 : memref<1x!tpu.dma_semaphore, #tpu.memory_space<semaphore_mem>> -> memref<!tpu.dma_semaphore, #tpu.memory_space<semaphore_mem>>
        %dma_start3A_203 = arith.constant 0 : i32
        %dma_start3A_204 = arith.constant 0 : i32
        %dma_start3A_205 = arith.constant 0 : i32
        %dma_start3A_206 = tpu.memref_slice %arg4[%rem3A_105, %dma_start3A_203, %dma_start3A_204, %dma_start3A_205] : memref<3x2x8x2048xf32, #tpu.memory_space<vmem>> -> memref<1x2x8x2048xf32, #tpu.memory_space<vmem>>
        %dma_start3A_207 = tpu.memref_squeeze %dma_start3A_206 : memref<1x2x8x2048xf32, #tpu.memory_space<vmem>> -> memref<2x8x2048xf32, #tpu.memory_space<vmem>>
        %dma_start3A_208 = tpu.memref_slice %arg2[%mul3A_3, %mul3A_192, %mul3A_194] : memref<16x136x4096xf32, #tpu.memory_space<hbm>> -> memref<2x8x2048xf32, #tpu.memory_space<hbm>>
        tpu.enqueue_dma source(%dma_start3A_208 : memref<2x8x2048xf32, #tpu.memory_space<hbm>>) target(%dma_start3A_207 : memref<2x8x2048xf32, #tpu.memory_space<vmem>>) target_semaphore(%dma_start3A_202 : memref<!tpu.dma_semaphore, #tpu.memory_space<semaphore_mem>>)
      } else {
      }
      %div3A_114 = arith.constant 8 : i32
      %div3A_115 = arith.divsi %mul3A_6, %div3A_114 : i32
      %add3A_116 = arith.addi %div3A_115, %add3A_99 : i32
      %mul3A_117 = arith.constant 8 : i32
      %mul3A_118 = arith.muli %add3A_116, %mul3A_117 : i32
      %sub3A_119 = arith.constant 2047 : i32
      %sub3A_120 = arith.subi %sub3A_119, %mul3A_118 : i32
      %add3A_121 = arith.constant 120 : i32
      %add3A_122 = arith.addi %sub3A_120, %add3A_121 : i32
      %div3A_123 = arith.constant 128 : i32
      %div3A_124 = arith.divsi %add3A_122, %div3A_123 : i32
      %mul3A_125 = arith.constant 128 : i32
      %mul3A_126 = arith.muli %div3A_124, %mul3A_125 : i32
      %add3A_127 = arith.constant 7 : i32
      %add3A_128 = arith.addi %mul3A_126, %add3A_127 : i32
      %sub3A_129 = arith.subi %add3A_128, %sub3A_120 : i32
      %div3A_130 = arith.constant 8 : i32
      %div3A_131 = arith.divsi %sub3A_129, %div3A_130 : i32
      %mul3A_132 = arith.constant 8 : i32
      %mul3A_133 = arith.muli %div3A_131, %mul3A_132 : i32
      %mul3A_134 = arith.constant 128 : i32
      %mul3A_135 = arith.muli %div3A_124, %mul3A_134 : i32
      %dma_wait3A_136 = arith.constant 0 : i32
      %dma_wait3A_137 = arith.constant 0 : i32
      %dma_wait3A_138 = arith.constant 0 : i32
      %dma_wait3A_139 = tpu.memref_slice %arg4[%rem3A_101, %dma_wait3A_136, %dma_wait3A_137, %dma_wait3A_138] : memref<3x2x8x2048xf32, #tpu.memory_space<vmem>> -> memref<1x2x8x2048xf32, #tpu.memory_space<vmem>>
      %dma_wait3A_140 = tpu.memref_squeeze %dma_wait3A_139 : memref<1x2x8x2048xf32, #tpu.memory_space<vmem>> -> memref<2x8x2048xf32, #tpu.memory_space<vmem>>
      %dma_wait3A_141 = tpu.memref_slice %arg2[%mul3A_3, %mul3A_133, %mul3A_135] : memref<16x136x4096xf32, #tpu.memory_space<hbm>> -> memref<2x8x2048xf32, #tpu.memory_space<hbm>>
      %dma_wait3A_142 = tpu.memref_slice %arg5[%rem3A_101] : memref<3x!tpu.dma_semaphore, #tpu.memory_space<semaphore_mem>> -> memref<1x!tpu.dma_semaphore, #tpu.memory_space<semaphore_mem>>
      %dma_wait3A_143 = tpu.memref_squeeze %dma_wait3A_142 : memref<1x!tpu.dma_semaphore, #tpu.memory_space<semaphore_mem>> -> memref<!tpu.dma_semaphore, #tpu.memory_space<semaphore_mem>>
      %dma_wait3A_144 = arith.constant 0 : i32
      %dma_wait3A_145 = arith.constant 0 : i32
      %dma_wait3A_146 = arith.constant 0 : i32
      %dma_wait3A_147 = tpu.memref_slice %arg4[%rem3A_101, %dma_wait3A_144, %dma_wait3A_145, %dma_wait3A_146] : memref<3x2x8x2048xf32, #tpu.memory_space<vmem>> -> memref<1x2x8x2048xf32, #tpu.memory_space<vmem>>
      %dma_wait3A_148 = tpu.memref_squeeze %dma_wait3A_147 : memref<1x2x8x2048xf32, #tpu.memory_space<vmem>> -> memref<2x8x2048xf32, #tpu.memory_space<vmem>>
      %dma_wait3A_149 = tpu.memref_slice %arg2[%mul3A_3, %mul3A_133, %mul3A_135] : memref<16x136x4096xf32, #tpu.memory_space<hbm>> -> memref<2x8x2048xf32, #tpu.memory_space<hbm>>
      tpu.wait_dma2 semaphore(%dma_wait3A_143 : memref<!tpu.dma_semaphore, #tpu.memory_space<semaphore_mem>>) src(%dma_wait3A_149 : memref<2x8x2048xf32, #tpu.memory_space<hbm>>) dst(%dma_wait3A_148 : memref<2x8x2048xf32, #tpu.memory_space<vmem>>)
      %div3A_150 = arith.constant 8 : i32
      %div3A_151 = arith.divsi %mul3A_6, %div3A_150 : i32
      %add3A_152 = arith.addi %div3A_151, %add3A_99 : i32
      %mul3A_153 = arith.constant 8 : i32
      %mul3A_154 = arith.muli %add3A_152, %mul3A_153 : i32
      %dma_start3A_155 = arith.constant 0 : i32
      %dma_start3A_156 = arith.constant 0 : i32
      %dma_start3A_157 = arith.constant 0 : i32
      %dma_start3A_158 = tpu.memref_slice %arg4[%rem3A_101, %dma_start3A_155, %dma_start3A_156, %dma_start3A_157] : memref<3x2x8x2048xf32, #tpu.memory_space<vmem>> -> memref<1x2x8x2048xf32, #tpu.memory_space<vmem>>
      %dma_start3A_159 = tpu.memref_squeeze %dma_start3A_158 : memref<1x2x8x2048xf32, #tpu.memory_space<vmem>> -> memref<2x8x2048xf32, #tpu.memory_space<vmem>>
      %dma_start3A_160 = arith.constant 0 : i32
      %dma_start3A_161 = tpu.memref_slice %arg3[%mul3A_3, %mul3A_154, %dma_start3A_160] : memref<16x2048x2048xf32, #tpu.memory_space<hbm>> -> memref<2x8x2048xf32, #tpu.memory_space<hbm>>
      %dma_start3A_162 = tpu.memref_slice %arg6[%rem3A_101] : memref<3x!tpu.dma_semaphore, #tpu.memory_space<semaphore_mem>> -> memref<1x!tpu.dma_semaphore, #tpu.memory_space<semaphore_mem>>
      %dma_start3A_163 = tpu.memref_squeeze %dma_start3A_162 : memref<1x!tpu.dma_semaphore, #tpu.memory_space<semaphore_mem>> -> memref<!tpu.dma_semaphore, #tpu.memory_space<semaphore_mem>>
      %dma_start3A_164 = arith.constant 0 : i32
      %dma_start3A_165 = tpu.memref_slice %arg3[%mul3A_3, %mul3A_154, %dma_start3A_164] : memref<16x2048x2048xf32, #tpu.memory_space<hbm>> -> memref<2x8x2048xf32, #tpu.memory_space<hbm>>
      %dma_start3A_166 = arith.constant 0 : i32
      %dma_start3A_167 = arith.constant 0 : i32
      %dma_start3A_168 = arith.constant 0 : i32
      %dma_start3A_169 = tpu.memref_slice %arg4[%rem3A_101, %dma_start3A_166, %dma_start3A_167, %dma_start3A_168] : memref<3x2x8x2048xf32, #tpu.memory_space<vmem>> -> memref<1x2x8x2048xf32, #tpu.memory_space<vmem>>
      %dma_start3A_170 = tpu.memref_squeeze %dma_start3A_169 : memref<1x2x8x2048xf32, #tpu.memory_space<vmem>> -> memref<2x8x2048xf32, #tpu.memory_space<vmem>>
      tpu.enqueue_dma source(%dma_start3A_170 : memref<2x8x2048xf32, #tpu.memory_space<vmem>>) target(%dma_start3A_165 : memref<2x8x2048xf32, #tpu.memory_space<hbm>>) target_semaphore(%dma_start3A_163 : memref<!tpu.dma_semaphore, #tpu.memory_space<semaphore_mem>>)
    }
    %scan3A_47 = arith.constant 64 : i32
    %div3A_48 = arith.constant 8 : i32
    %div3A_49 = arith.divsi %mul3A_6, %div3A_48 : i32
    %add3A_50 = arith.constant 62 : i32
    %add3A_51 = arith.addi %div3A_49, %add3A_50 : i32
    %mul3A_52 = arith.constant 8 : i32
    %mul3A_53 = arith.muli %add3A_51, %mul3A_52 : i32
    %dma_wait3A = arith.constant 2 : i32
    %dma_wait3A_54 = arith.constant 2 : i32
    %dma_wait3A_55 = arith.constant 0 : i32
    %dma_wait3A_56 = arith.constant 0 : i32
    %dma_wait3A_57 = arith.constant 0 : i32
    %dma_wait3A_58 = tpu.memref_slice %arg4[%dma_wait3A, %dma_wait3A_55, %dma_wait3A_56, %dma_wait3A_57] : memref<3x2x8x2048xf32, #tpu.memory_space<vmem>> -> memref<1x2x8x2048xf32, #tpu.memory_space<vmem>>
    %dma_wait3A_59 = tpu.memref_squeeze %dma_wait3A_58 : memref<1x2x8x2048xf32, #tpu.memory_space<vmem>> -> memref<2x8x2048xf32, #tpu.memory_space<vmem>>
    %dma_wait3A_60 = arith.constant 0 : i32
    %dma_wait3A_61 = tpu.memref_slice %arg3[%mul3A_3, %mul3A_53, %dma_wait3A_60] : memref<16x2048x2048xf32, #tpu.memory_space<hbm>> -> memref<2x8x2048xf32, #tpu.memory_space<hbm>>
    %dma_wait3A_62 = tpu.memref_slice %arg6[%dma_wait3A_54] : memref<3x!tpu.dma_semaphore, #tpu.memory_space<semaphore_mem>> -> memref<1x!tpu.dma_semaphore, #tpu.memory_space<semaphore_mem>>
    %dma_wait3A_63 = tpu.memref_squeeze %dma_wait3A_62 : memref<1x!tpu.dma_semaphore, #tpu.memory_space<semaphore_mem>> -> memref<!tpu.dma_semaphore, #tpu.memory_space<semaphore_mem>>
    %dma_wait3A_64 = arith.constant 0 : i32
    %dma_wait3A_65 = tpu.memref_slice %arg3[%mul3A_3, %mul3A_53, %dma_wait3A_64] : memref<16x2048x2048xf32, #tpu.memory_space<hbm>> -> memref<2x8x2048xf32, #tpu.memory_space<hbm>>
    %dma_wait3A_66 = arith.constant 0 : i32
    %dma_wait3A_67 = arith.constant 0 : i32
    %dma_wait3A_68 = arith.constant 0 : i32
    %dma_wait3A_69 = tpu.memref_slice %arg4[%dma_wait3A, %dma_wait3A_66, %dma_wait3A_67, %dma_wait3A_68] : memref<3x2x8x2048xf32, #tpu.memory_space<vmem>> -> memref<1x2x8x2048xf32, #tpu.memory_space<vmem>>
    %dma_wait3A_70 = tpu.memref_squeeze %dma_wait3A_69 : memref<1x2x8x2048xf32, #tpu.memory_space<vmem>> -> memref<2x8x2048xf32, #tpu.memory_space<vmem>>
    tpu.wait_dma2 semaphore(%dma_wait3A_63 : memref<!tpu.dma_semaphore, #tpu.memory_space<semaphore_mem>>) src(%dma_wait3A_70 : memref<2x8x2048xf32, #tpu.memory_space<vmem>>) dst(%dma_wait3A_65 : memref<2x8x2048xf32, #tpu.memory_space<hbm>>)
    %div3A_71 = arith.constant 8 : i32
    %div3A_72 = arith.divsi %mul3A_6, %div3A_71 : i32
    %add3A_73 = arith.constant 63 : i32
    %add3A_74 = arith.addi %div3A_72, %add3A_73 : i32
    %mul3A_75 = arith.constant 8 : i32
    %mul3A_76 = arith.muli %add3A_74, %mul3A_75 : i32
    %dma_wait3A_77 = arith.constant 0 : i32
    %dma_wait3A_78 = arith.constant 0 : i32
    %dma_wait3A_79 = arith.constant 0 : i32
    %dma_wait3A_80 = arith.constant 0 : i32
    %dma_wait3A_81 = arith.constant 0 : i32
    %dma_wait3A_82 = tpu.memref_slice %arg4[%dma_wait3A_77, %dma_wait3A_79, %dma_wait3A_80, %dma_wait3A_81] : memref<3x2x8x2048xf32, #tpu.memory_space<vmem>> -> memref<1x2x8x2048xf32, #tpu.memory_space<vmem>>
    %dma_wait3A_83 = tpu.memref_squeeze %dma_wait3A_82 : memref<1x2x8x2048xf32, #tpu.memory_space<vmem>> -> memref<2x8x2048xf32, #tpu.memory_space<vmem>>
    %dma_wait3A_84 = arith.constant 0 : i32
    %dma_wait3A_85 = tpu.memref_slice %arg3[%mul3A_3, %mul3A_76, %dma_wait3A_84] : memref<16x2048x2048xf32, #tpu.memory_space<hbm>> -> memref<2x8x2048xf32, #tpu.memory_space<hbm>>
    %dma_wait3A_86 = tpu.memref_slice %arg6[%dma_wait3A_78] : memref<3x!tpu.dma_semaphore, #tpu.memory_space<semaphore_mem>> -> memref<1x!tpu.dma_semaphore, #tpu.memory_space<semaphore_mem>>
    %dma_wait3A_87 = tpu.memref_squeeze %dma_wait3A_86 : memref<1x!tpu.dma_semaphore, #tpu.memory_space<semaphore_mem>> -> memref<!tpu.dma_semaphore, #tpu.memory_space<semaphore_mem>>
    %dma_wait3A_88 = arith.constant 0 : i32
    %dma_wait3A_89 = tpu.memref_slice %arg3[%mul3A_3, %mul3A_76, %dma_wait3A_88] : memref<16x2048x2048xf32, #tpu.memory_space<hbm>> -> memref<2x8x2048xf32, #tpu.memory_space<hbm>>
    %dma_wait3A_90 = arith.constant 0 : i32
    %dma_wait3A_91 = arith.constant 0 : i32
    %dma_wait3A_92 = arith.constant 0 : i32
    %dma_wait3A_93 = tpu.memref_slice %arg4[%dma_wait3A_77, %dma_wait3A_90, %dma_wait3A_91, %dma_wait3A_92] : memref<3x2x8x2048xf32, #tpu.memory_space<vmem>> -> memref<1x2x8x2048xf32, #tpu.memory_space<vmem>>
    %dma_wait3A_94 = tpu.memref_squeeze %dma_wait3A_93 : memref<1x2x8x2048xf32, #tpu.memory_space<vmem>> -> memref<2x8x2048xf32, #tpu.memory_space<vmem>>
    tpu.wait_dma2 semaphore(%dma_wait3A_87 : memref<!tpu.dma_semaphore, #tpu.memory_space<semaphore_mem>>) src(%dma_wait3A_94 : memref<2x8x2048xf32, #tpu.memory_space<vmem>>) dst(%dma_wait3A_89 : memref<2x8x2048xf32, #tpu.memory_space<hbm>>)
    return
  }
}

module attributes {stable_mosaic.version = 14 : i64} {
  func.func @_la_kernel(%arg0: i32, %arg1: memref<32x16xf32, #tpu.memory_space<vmem>>, %arg2: memref<16x136x4096xf32, #tpu.memory_space<any>>, %arg3: memref<16x4352xf32, #tpu.memory_space<vmem>>, %arg4: memref<8x16x4352xf32, #tpu.memory_space<vmem>>, %arg5: memref<8x!tpu.dma_semaphore, #tpu.memory_space<semaphore_mem>>) attributes {dimension_semantics = [#tpu.dimension_semantics<arbitrary>], iteration_bounds = array<i64: 34>, scalar_prefetch = 0 : i64, scratch_operands = 3 : i64, tpu.core_type = #tpu.core_type<tc>, window_params = [{pipeline_mode = #tpu.pipeline_mode<synchronous>, transform_indices = @transform_0, window_bounds = array<i64: 32, 16>}, {}]} {
    %rem3A = arith.constant 2 : i32
    %rem3A_0 = arith.remsi %arg0, %rem3A : i32
    %eq3A = arith.constant 0 : i32
    %eq3A_1 = arith.cmpi eq, %arg0, %eq3A : i32
    %convert_element_type3A = arith.extui %eq3A_1 : i1 to i32
    %cond3A = arith.constant 0 : i32
    %cond3A_2 = arith.cmpi ne, %convert_element_type3A, %cond3A : i32
    scf.if %cond3A_2 {
      %iota3A = tpu.iota {dimensions = array<i32: 1>} : vector<1x4352xi32>
      %sub3A = arith.constant 128 : i32
      %sub3A_166 = vector.broadcast %sub3A : i32 to vector<1x4352xi32>
      %sub3A_167 = arith.subi %iota3A, %sub3A_166 : vector<1x4352xi32>
      %sub3A_168 = arith.constant 2047 : i32
      %sub3A_169 = vector.broadcast %sub3A_168 : i32 to vector<1x4352xi32>
      %sub3A_170 = arith.subi %sub3A_167, %sub3A_169 : vector<1x4352xi32>
      %abs3A = math.absi %sub3A_170 : vector<1x4352xi32>
      %min3A = arith.constant 7 : i32
      %min3A_171 = vector.broadcast %min3A : i32 to vector<1x4352xi32>
      %min3A_172 = arith.minsi %abs3A, %min3A_171 : vector<1x4352xi32>
      %ge3A_173 = arith.constant 8 : i32
      %ge3A_174 = vector.broadcast %ge3A_173 : i32 to vector<1x4352xi32>
      %ge3A_175 = arith.cmpi sge, %abs3A, %ge3A_174 : vector<1x4352xi32>
      %convert_element_type3A_176 = arith.extui %ge3A_175 : vector<1x4352xi1> to vector<1x4352xi32>
      %add3A_177 = arith.addi %min3A_172, %convert_element_type3A_176 : vector<1x4352xi32>
      %ge3A_178 = arith.constant 12 : i32
      %ge3A_179 = vector.broadcast %ge3A_178 : i32 to vector<1x4352xi32>
      %ge3A_180 = arith.cmpi sge, %abs3A, %ge3A_179 : vector<1x4352xi32>
      %convert_element_type3A_181 = arith.extui %ge3A_180 : vector<1x4352xi1> to vector<1x4352xi32>
      %add3A_182 = arith.addi %add3A_177, %convert_element_type3A_181 : vector<1x4352xi32>
      %ge3A_183 = arith.constant 16 : i32
      %ge3A_184 = vector.broadcast %ge3A_183 : i32 to vector<1x4352xi32>
      %ge3A_185 = arith.cmpi sge, %abs3A, %ge3A_184 : vector<1x4352xi32>
      %convert_element_type3A_186 = arith.extui %ge3A_185 : vector<1x4352xi1> to vector<1x4352xi32>
      %add3A_187 = arith.addi %add3A_182, %convert_element_type3A_186 : vector<1x4352xi32>
      %ge3A_188 = arith.constant 23 : i32
      %ge3A_189 = vector.broadcast %ge3A_188 : i32 to vector<1x4352xi32>
      %ge3A_190 = arith.cmpi sge, %abs3A, %ge3A_189 : vector<1x4352xi32>
      %convert_element_type3A_191 = arith.extui %ge3A_190 : vector<1x4352xi1> to vector<1x4352xi32>
      %add3A_192 = arith.addi %add3A_187, %convert_element_type3A_191 : vector<1x4352xi32>
      %ge3A_193 = arith.constant 32 : i32
      %ge3A_194 = vector.broadcast %ge3A_193 : i32 to vector<1x4352xi32>
      %ge3A_195 = arith.cmpi sge, %abs3A, %ge3A_194 : vector<1x4352xi32>
      %convert_element_type3A_196 = arith.extui %ge3A_195 : vector<1x4352xi1> to vector<1x4352xi32>
      %add3A_197 = arith.addi %add3A_192, %convert_element_type3A_196 : vector<1x4352xi32>
      %ge3A_198 = arith.constant 46 : i32
      %ge3A_199 = vector.broadcast %ge3A_198 : i32 to vector<1x4352xi32>
      %ge3A_200 = arith.cmpi sge, %abs3A, %ge3A_199 : vector<1x4352xi32>
      %convert_element_type3A_201 = arith.extui %ge3A_200 : vector<1x4352xi1> to vector<1x4352xi32>
      %add3A_202 = arith.addi %add3A_197, %convert_element_type3A_201 : vector<1x4352xi32>
      %ge3A_203 = arith.constant 64 : i32
      %ge3A_204 = vector.broadcast %ge3A_203 : i32 to vector<1x4352xi32>
      %ge3A_205 = arith.cmpi sge, %abs3A, %ge3A_204 : vector<1x4352xi32>
      %convert_element_type3A_206 = arith.extui %ge3A_205 : vector<1x4352xi1> to vector<1x4352xi32>
      %add3A_207 = arith.addi %add3A_202, %convert_element_type3A_206 : vector<1x4352xi32>
      %ge3A_208 = arith.constant 91 : i32
      %ge3A_209 = vector.broadcast %ge3A_208 : i32 to vector<1x4352xi32>
      %ge3A_210 = arith.cmpi sge, %abs3A, %ge3A_209 : vector<1x4352xi32>
      %convert_element_type3A_211 = arith.extui %ge3A_210 : vector<1x4352xi1> to vector<1x4352xi32>
      %add3A_212 = arith.addi %add3A_207, %convert_element_type3A_211 : vector<1x4352xi32>
      %gt3A = arith.constant 0 : i32
      %gt3A_213 = vector.broadcast %gt3A : i32 to vector<1x4352xi32>
      %gt3A_214 = arith.cmpi sgt, %sub3A_170, %gt3A_213 : vector<1x4352xi32>
      %jit3A = arith.constant 16 : i32
      %jit3A_215 = arith.constant 0 : i32
      %broadcast_in_dim3A = vector.broadcast %jit3A : i32 to vector<1x4352xi32>
      %broadcast_in_dim3A_216 = vector.broadcast %jit3A_215 : i32 to vector<1x4352xi32>
      %select_n3A = arith.select %gt3A_214, %broadcast_in_dim3A, %broadcast_in_dim3A_216 : vector<1x4352xi1>, vector<1x4352xi32>
      %add3A_217 = arith.addi %select_n3A, %add3A_212 : vector<1x4352xi32>
      %broadcast_in_dim3A_218 = arith.constant 0.000000e+00 : f32
      %broadcast_in_dim3A_219 = vector.broadcast %broadcast_in_dim3A_218 : f32 to vector<16x4352xf32>
      %get3A_220 = arith.constant 0 : index
      %get3A_221 = arith.constant 0 : index
      %get3A_222 = vector.load %arg1[%get3A_220, %get3A_221] : memref<32x16xf32, #tpu.memory_space<vmem>>, vector<1x16xf32>
      %get3A_223 = vector.shape_cast %get3A_222 : vector<1x16xf32> to vector<16xf32>
      %reshape3A = vector.shape_cast %get3A_223 : vector<16xf32> to vector<16x1xf32>
      %eq3A_224 = arith.constant 0 : i32
      %eq3A_225 = vector.broadcast %eq3A_224 : i32 to vector<1x4352xi32>
      %eq3A_226 = arith.cmpi eq, %add3A_217, %eq3A_225 : vector<1x4352xi32>
      %broadcast_in_dim3A_227 = vector.shape_cast %eq3A_226 : vector<1x4352xi1> to vector<1x4352xi1>
      %broadcast_in_dim3A_228 = vector.broadcast %broadcast_in_dim3A_227 : vector<1x4352xi1> to vector<16x4352xi1>
      %broadcast_in_dim3A_229 = vector.shape_cast %reshape3A : vector<16x1xf32> to vector<16x1xf32>
      %broadcast_in_dim3A_230 = vector.broadcast %broadcast_in_dim3A_229 : vector<16x1xf32> to vector<16x4352xf32>
      %select_n3A_231 = arith.select %broadcast_in_dim3A_228, %broadcast_in_dim3A_230, %broadcast_in_dim3A_219 : vector<16x4352xi1>, vector<16x4352xf32>
      %get3A_232 = arith.constant 1 : index
      %get3A_233 = arith.constant 0 : index
      %get3A_234 = vector.load %arg1[%get3A_232, %get3A_233] : memref<32x16xf32, #tpu.memory_space<vmem>>, vector<1x16xf32>
      %get3A_235 = vector.shape_cast %get3A_234 : vector<1x16xf32> to vector<16xf32>
      %reshape3A_236 = vector.shape_cast %get3A_235 : vector<16xf32> to vector<16x1xf32>
      %eq3A_237 = arith.constant 1 : i32
      %eq3A_238 = vector.broadcast %eq3A_237 : i32 to vector<1x4352xi32>
      %eq3A_239 = arith.cmpi eq, %add3A_217, %eq3A_238 : vector<1x4352xi32>
      %broadcast_in_dim3A_240 = vector.shape_cast %eq3A_239 : vector<1x4352xi1> to vector<1x4352xi1>
      %broadcast_in_dim3A_241 = vector.broadcast %broadcast_in_dim3A_240 : vector<1x4352xi1> to vector<16x4352xi1>
      %broadcast_in_dim3A_242 = vector.shape_cast %reshape3A_236 : vector<16x1xf32> to vector<16x1xf32>
      %broadcast_in_dim3A_243 = vector.broadcast %broadcast_in_dim3A_242 : vector<16x1xf32> to vector<16x4352xf32>
      %select_n3A_244 = arith.select %broadcast_in_dim3A_241, %broadcast_in_dim3A_243, %select_n3A_231 : vector<16x4352xi1>, vector<16x4352xf32>
      %get3A_245 = arith.constant 2 : index
      %get3A_246 = arith.constant 0 : index
      %get3A_247 = vector.load %arg1[%get3A_245, %get3A_246] : memref<32x16xf32, #tpu.memory_space<vmem>>, vector<1x16xf32>
      %get3A_248 = vector.shape_cast %get3A_247 : vector<1x16xf32> to vector<16xf32>
      %reshape3A_249 = vector.shape_cast %get3A_248 : vector<16xf32> to vector<16x1xf32>
      %eq3A_250 = arith.constant 2 : i32
      %eq3A_251 = vector.broadcast %eq3A_250 : i32 to vector<1x4352xi32>
      %eq3A_252 = arith.cmpi eq, %add3A_217, %eq3A_251 : vector<1x4352xi32>
      %broadcast_in_dim3A_253 = vector.shape_cast %eq3A_252 : vector<1x4352xi1> to vector<1x4352xi1>
      %broadcast_in_dim3A_254 = vector.broadcast %broadcast_in_dim3A_253 : vector<1x4352xi1> to vector<16x4352xi1>
      %broadcast_in_dim3A_255 = vector.shape_cast %reshape3A_249 : vector<16x1xf32> to vector<16x1xf32>
      %broadcast_in_dim3A_256 = vector.broadcast %broadcast_in_dim3A_255 : vector<16x1xf32> to vector<16x4352xf32>
      %select_n3A_257 = arith.select %broadcast_in_dim3A_254, %broadcast_in_dim3A_256, %select_n3A_244 : vector<16x4352xi1>, vector<16x4352xf32>
      %get3A_258 = arith.constant 3 : index
      %get3A_259 = arith.constant 0 : index
      %get3A_260 = vector.load %arg1[%get3A_258, %get3A_259] : memref<32x16xf32, #tpu.memory_space<vmem>>, vector<1x16xf32>
      %get3A_261 = vector.shape_cast %get3A_260 : vector<1x16xf32> to vector<16xf32>
      %reshape3A_262 = vector.shape_cast %get3A_261 : vector<16xf32> to vector<16x1xf32>
      %eq3A_263 = arith.constant 3 : i32
      %eq3A_264 = vector.broadcast %eq3A_263 : i32 to vector<1x4352xi32>
      %eq3A_265 = arith.cmpi eq, %add3A_217, %eq3A_264 : vector<1x4352xi32>
      %broadcast_in_dim3A_266 = vector.shape_cast %eq3A_265 : vector<1x4352xi1> to vector<1x4352xi1>
      %broadcast_in_dim3A_267 = vector.broadcast %broadcast_in_dim3A_266 : vector<1x4352xi1> to vector<16x4352xi1>
      %broadcast_in_dim3A_268 = vector.shape_cast %reshape3A_262 : vector<16x1xf32> to vector<16x1xf32>
      %broadcast_in_dim3A_269 = vector.broadcast %broadcast_in_dim3A_268 : vector<16x1xf32> to vector<16x4352xf32>
      %select_n3A_270 = arith.select %broadcast_in_dim3A_267, %broadcast_in_dim3A_269, %select_n3A_257 : vector<16x4352xi1>, vector<16x4352xf32>
      %get3A_271 = arith.constant 4 : index
      %get3A_272 = arith.constant 0 : index
      %get3A_273 = vector.load %arg1[%get3A_271, %get3A_272] : memref<32x16xf32, #tpu.memory_space<vmem>>, vector<1x16xf32>
      %get3A_274 = vector.shape_cast %get3A_273 : vector<1x16xf32> to vector<16xf32>
      %reshape3A_275 = vector.shape_cast %get3A_274 : vector<16xf32> to vector<16x1xf32>
      %eq3A_276 = arith.constant 4 : i32
      %eq3A_277 = vector.broadcast %eq3A_276 : i32 to vector<1x4352xi32>
      %eq3A_278 = arith.cmpi eq, %add3A_217, %eq3A_277 : vector<1x4352xi32>
      %broadcast_in_dim3A_279 = vector.shape_cast %eq3A_278 : vector<1x4352xi1> to vector<1x4352xi1>
      %broadcast_in_dim3A_280 = vector.broadcast %broadcast_in_dim3A_279 : vector<1x4352xi1> to vector<16x4352xi1>
      %broadcast_in_dim3A_281 = vector.shape_cast %reshape3A_275 : vector<16x1xf32> to vector<16x1xf32>
      %broadcast_in_dim3A_282 = vector.broadcast %broadcast_in_dim3A_281 : vector<16x1xf32> to vector<16x4352xf32>
      %select_n3A_283 = arith.select %broadcast_in_dim3A_280, %broadcast_in_dim3A_282, %select_n3A_270 : vector<16x4352xi1>, vector<16x4352xf32>
      %get3A_284 = arith.constant 5 : index
      %get3A_285 = arith.constant 0 : index
      %get3A_286 = vector.load %arg1[%get3A_284, %get3A_285] : memref<32x16xf32, #tpu.memory_space<vmem>>, vector<1x16xf32>
      %get3A_287 = vector.shape_cast %get3A_286 : vector<1x16xf32> to vector<16xf32>
      %reshape3A_288 = vector.shape_cast %get3A_287 : vector<16xf32> to vector<16x1xf32>
      %eq3A_289 = arith.constant 5 : i32
      %eq3A_290 = vector.broadcast %eq3A_289 : i32 to vector<1x4352xi32>
      %eq3A_291 = arith.cmpi eq, %add3A_217, %eq3A_290 : vector<1x4352xi32>
      %broadcast_in_dim3A_292 = vector.shape_cast %eq3A_291 : vector<1x4352xi1> to vector<1x4352xi1>
      %broadcast_in_dim3A_293 = vector.broadcast %broadcast_in_dim3A_292 : vector<1x4352xi1> to vector<16x4352xi1>
      %broadcast_in_dim3A_294 = vector.shape_cast %reshape3A_288 : vector<16x1xf32> to vector<16x1xf32>
      %broadcast_in_dim3A_295 = vector.broadcast %broadcast_in_dim3A_294 : vector<16x1xf32> to vector<16x4352xf32>
      %select_n3A_296 = arith.select %broadcast_in_dim3A_293, %broadcast_in_dim3A_295, %select_n3A_283 : vector<16x4352xi1>, vector<16x4352xf32>
      %get3A_297 = arith.constant 6 : index
      %get3A_298 = arith.constant 0 : index
      %get3A_299 = vector.load %arg1[%get3A_297, %get3A_298] : memref<32x16xf32, #tpu.memory_space<vmem>>, vector<1x16xf32>
      %get3A_300 = vector.shape_cast %get3A_299 : vector<1x16xf32> to vector<16xf32>
      %reshape3A_301 = vector.shape_cast %get3A_300 : vector<16xf32> to vector<16x1xf32>
      %eq3A_302 = arith.constant 6 : i32
      %eq3A_303 = vector.broadcast %eq3A_302 : i32 to vector<1x4352xi32>
      %eq3A_304 = arith.cmpi eq, %add3A_217, %eq3A_303 : vector<1x4352xi32>
      %broadcast_in_dim3A_305 = vector.shape_cast %eq3A_304 : vector<1x4352xi1> to vector<1x4352xi1>
      %broadcast_in_dim3A_306 = vector.broadcast %broadcast_in_dim3A_305 : vector<1x4352xi1> to vector<16x4352xi1>
      %broadcast_in_dim3A_307 = vector.shape_cast %reshape3A_301 : vector<16x1xf32> to vector<16x1xf32>
      %broadcast_in_dim3A_308 = vector.broadcast %broadcast_in_dim3A_307 : vector<16x1xf32> to vector<16x4352xf32>
      %select_n3A_309 = arith.select %broadcast_in_dim3A_306, %broadcast_in_dim3A_308, %select_n3A_296 : vector<16x4352xi1>, vector<16x4352xf32>
      %get3A_310 = arith.constant 7 : index
      %get3A_311 = arith.constant 0 : index
      %get3A_312 = vector.load %arg1[%get3A_310, %get3A_311] : memref<32x16xf32, #tpu.memory_space<vmem>>, vector<1x16xf32>
      %get3A_313 = vector.shape_cast %get3A_312 : vector<1x16xf32> to vector<16xf32>
      %reshape3A_314 = vector.shape_cast %get3A_313 : vector<16xf32> to vector<16x1xf32>
      %eq3A_315 = arith.constant 7 : i32
      %eq3A_316 = vector.broadcast %eq3A_315 : i32 to vector<1x4352xi32>
      %eq3A_317 = arith.cmpi eq, %add3A_217, %eq3A_316 : vector<1x4352xi32>
      %broadcast_in_dim3A_318 = vector.shape_cast %eq3A_317 : vector<1x4352xi1> to vector<1x4352xi1>
      %broadcast_in_dim3A_319 = vector.broadcast %broadcast_in_dim3A_318 : vector<1x4352xi1> to vector<16x4352xi1>
      %broadcast_in_dim3A_320 = vector.shape_cast %reshape3A_314 : vector<16x1xf32> to vector<16x1xf32>
      %broadcast_in_dim3A_321 = vector.broadcast %broadcast_in_dim3A_320 : vector<16x1xf32> to vector<16x4352xf32>
      %select_n3A_322 = arith.select %broadcast_in_dim3A_319, %broadcast_in_dim3A_321, %select_n3A_309 : vector<16x4352xi1>, vector<16x4352xf32>
      %get3A_323 = arith.constant 8 : index
      %get3A_324 = arith.constant 0 : index
      %get3A_325 = vector.load %arg1[%get3A_323, %get3A_324] : memref<32x16xf32, #tpu.memory_space<vmem>>, vector<1x16xf32>
      %get3A_326 = vector.shape_cast %get3A_325 : vector<1x16xf32> to vector<16xf32>
      %reshape3A_327 = vector.shape_cast %get3A_326 : vector<16xf32> to vector<16x1xf32>
      %eq3A_328 = arith.constant 8 : i32
      %eq3A_329 = vector.broadcast %eq3A_328 : i32 to vector<1x4352xi32>
      %eq3A_330 = arith.cmpi eq, %add3A_217, %eq3A_329 : vector<1x4352xi32>
      %broadcast_in_dim3A_331 = vector.shape_cast %eq3A_330 : vector<1x4352xi1> to vector<1x4352xi1>
      %broadcast_in_dim3A_332 = vector.broadcast %broadcast_in_dim3A_331 : vector<1x4352xi1> to vector<16x4352xi1>
      %broadcast_in_dim3A_333 = vector.shape_cast %reshape3A_327 : vector<16x1xf32> to vector<16x1xf32>
      %broadcast_in_dim3A_334 = vector.broadcast %broadcast_in_dim3A_333 : vector<16x1xf32> to vector<16x4352xf32>
      %select_n3A_335 = arith.select %broadcast_in_dim3A_332, %broadcast_in_dim3A_334, %select_n3A_322 : vector<16x4352xi1>, vector<16x4352xf32>
      %get3A_336 = arith.constant 9 : index
      %get3A_337 = arith.constant 0 : index
      %get3A_338 = vector.load %arg1[%get3A_336, %get3A_337] : memref<32x16xf32, #tpu.memory_space<vmem>>, vector<1x16xf32>
      %get3A_339 = vector.shape_cast %get3A_338 : vector<1x16xf32> to vector<16xf32>
      %reshape3A_340 = vector.shape_cast %get3A_339 : vector<16xf32> to vector<16x1xf32>
      %eq3A_341 = arith.constant 9 : i32
      %eq3A_342 = vector.broadcast %eq3A_341 : i32 to vector<1x4352xi32>
      %eq3A_343 = arith.cmpi eq, %add3A_217, %eq3A_342 : vector<1x4352xi32>
      %broadcast_in_dim3A_344 = vector.shape_cast %eq3A_343 : vector<1x4352xi1> to vector<1x4352xi1>
      %broadcast_in_dim3A_345 = vector.broadcast %broadcast_in_dim3A_344 : vector<1x4352xi1> to vector<16x4352xi1>
      %broadcast_in_dim3A_346 = vector.shape_cast %reshape3A_340 : vector<16x1xf32> to vector<16x1xf32>
      %broadcast_in_dim3A_347 = vector.broadcast %broadcast_in_dim3A_346 : vector<16x1xf32> to vector<16x4352xf32>
      %select_n3A_348 = arith.select %broadcast_in_dim3A_345, %broadcast_in_dim3A_347, %select_n3A_335 : vector<16x4352xi1>, vector<16x4352xf32>
      %get3A_349 = arith.constant 10 : index
      %get3A_350 = arith.constant 0 : index
      %get3A_351 = vector.load %arg1[%get3A_349, %get3A_350] : memref<32x16xf32, #tpu.memory_space<vmem>>, vector<1x16xf32>
      %get3A_352 = vector.shape_cast %get3A_351 : vector<1x16xf32> to vector<16xf32>
      %reshape3A_353 = vector.shape_cast %get3A_352 : vector<16xf32> to vector<16x1xf32>
      %eq3A_354 = arith.constant 10 : i32
      %eq3A_355 = vector.broadcast %eq3A_354 : i32 to vector<1x4352xi32>
      %eq3A_356 = arith.cmpi eq, %add3A_217, %eq3A_355 : vector<1x4352xi32>
      %broadcast_in_dim3A_357 = vector.shape_cast %eq3A_356 : vector<1x4352xi1> to vector<1x4352xi1>
      %broadcast_in_dim3A_358 = vector.broadcast %broadcast_in_dim3A_357 : vector<1x4352xi1> to vector<16x4352xi1>
      %broadcast_in_dim3A_359 = vector.shape_cast %reshape3A_353 : vector<16x1xf32> to vector<16x1xf32>
      %broadcast_in_dim3A_360 = vector.broadcast %broadcast_in_dim3A_359 : vector<16x1xf32> to vector<16x4352xf32>
      %select_n3A_361 = arith.select %broadcast_in_dim3A_358, %broadcast_in_dim3A_360, %select_n3A_348 : vector<16x4352xi1>, vector<16x4352xf32>
      %get3A_362 = arith.constant 11 : index
      %get3A_363 = arith.constant 0 : index
      %get3A_364 = vector.load %arg1[%get3A_362, %get3A_363] : memref<32x16xf32, #tpu.memory_space<vmem>>, vector<1x16xf32>
      %get3A_365 = vector.shape_cast %get3A_364 : vector<1x16xf32> to vector<16xf32>
      %reshape3A_366 = vector.shape_cast %get3A_365 : vector<16xf32> to vector<16x1xf32>
      %eq3A_367 = arith.constant 11 : i32
      %eq3A_368 = vector.broadcast %eq3A_367 : i32 to vector<1x4352xi32>
      %eq3A_369 = arith.cmpi eq, %add3A_217, %eq3A_368 : vector<1x4352xi32>
      %broadcast_in_dim3A_370 = vector.shape_cast %eq3A_369 : vector<1x4352xi1> to vector<1x4352xi1>
      %broadcast_in_dim3A_371 = vector.broadcast %broadcast_in_dim3A_370 : vector<1x4352xi1> to vector<16x4352xi1>
      %broadcast_in_dim3A_372 = vector.shape_cast %reshape3A_366 : vector<16x1xf32> to vector<16x1xf32>
      %broadcast_in_dim3A_373 = vector.broadcast %broadcast_in_dim3A_372 : vector<16x1xf32> to vector<16x4352xf32>
      %select_n3A_374 = arith.select %broadcast_in_dim3A_371, %broadcast_in_dim3A_373, %select_n3A_361 : vector<16x4352xi1>, vector<16x4352xf32>
      %get3A_375 = arith.constant 12 : index
      %get3A_376 = arith.constant 0 : index
      %get3A_377 = vector.load %arg1[%get3A_375, %get3A_376] : memref<32x16xf32, #tpu.memory_space<vmem>>, vector<1x16xf32>
      %get3A_378 = vector.shape_cast %get3A_377 : vector<1x16xf32> to vector<16xf32>
      %reshape3A_379 = vector.shape_cast %get3A_378 : vector<16xf32> to vector<16x1xf32>
      %eq3A_380 = arith.constant 12 : i32
      %eq3A_381 = vector.broadcast %eq3A_380 : i32 to vector<1x4352xi32>
      %eq3A_382 = arith.cmpi eq, %add3A_217, %eq3A_381 : vector<1x4352xi32>
      %broadcast_in_dim3A_383 = vector.shape_cast %eq3A_382 : vector<1x4352xi1> to vector<1x4352xi1>
      %broadcast_in_dim3A_384 = vector.broadcast %broadcast_in_dim3A_383 : vector<1x4352xi1> to vector<16x4352xi1>
      %broadcast_in_dim3A_385 = vector.shape_cast %reshape3A_379 : vector<16x1xf32> to vector<16x1xf32>
      %broadcast_in_dim3A_386 = vector.broadcast %broadcast_in_dim3A_385 : vector<16x1xf32> to vector<16x4352xf32>
      %select_n3A_387 = arith.select %broadcast_in_dim3A_384, %broadcast_in_dim3A_386, %select_n3A_374 : vector<16x4352xi1>, vector<16x4352xf32>
      %get3A_388 = arith.constant 13 : index
      %get3A_389 = arith.constant 0 : index
      %get3A_390 = vector.load %arg1[%get3A_388, %get3A_389] : memref<32x16xf32, #tpu.memory_space<vmem>>, vector<1x16xf32>
      %get3A_391 = vector.shape_cast %get3A_390 : vector<1x16xf32> to vector<16xf32>
      %reshape3A_392 = vector.shape_cast %get3A_391 : vector<16xf32> to vector<16x1xf32>
      %eq3A_393 = arith.constant 13 : i32
      %eq3A_394 = vector.broadcast %eq3A_393 : i32 to vector<1x4352xi32>
      %eq3A_395 = arith.cmpi eq, %add3A_217, %eq3A_394 : vector<1x4352xi32>
      %broadcast_in_dim3A_396 = vector.shape_cast %eq3A_395 : vector<1x4352xi1> to vector<1x4352xi1>
      %broadcast_in_dim3A_397 = vector.broadcast %broadcast_in_dim3A_396 : vector<1x4352xi1> to vector<16x4352xi1>
      %broadcast_in_dim3A_398 = vector.shape_cast %reshape3A_392 : vector<16x1xf32> to vector<16x1xf32>
      %broadcast_in_dim3A_399 = vector.broadcast %broadcast_in_dim3A_398 : vector<16x1xf32> to vector<16x4352xf32>
      %select_n3A_400 = arith.select %broadcast_in_dim3A_397, %broadcast_in_dim3A_399, %select_n3A_387 : vector<16x4352xi1>, vector<16x4352xf32>
      %get3A_401 = arith.constant 14 : index
      %get3A_402 = arith.constant 0 : index
      %get3A_403 = vector.load %arg1[%get3A_401, %get3A_402] : memref<32x16xf32, #tpu.memory_space<vmem>>, vector<1x16xf32>
      %get3A_404 = vector.shape_cast %get3A_403 : vector<1x16xf32> to vector<16xf32>
      %reshape3A_405 = vector.shape_cast %get3A_404 : vector<16xf32> to vector<16x1xf32>
      %eq3A_406 = arith.constant 14 : i32
      %eq3A_407 = vector.broadcast %eq3A_406 : i32 to vector<1x4352xi32>
      %eq3A_408 = arith.cmpi eq, %add3A_217, %eq3A_407 : vector<1x4352xi32>
      %broadcast_in_dim3A_409 = vector.shape_cast %eq3A_408 : vector<1x4352xi1> to vector<1x4352xi1>
      %broadcast_in_dim3A_410 = vector.broadcast %broadcast_in_dim3A_409 : vector<1x4352xi1> to vector<16x4352xi1>
      %broadcast_in_dim3A_411 = vector.shape_cast %reshape3A_405 : vector<16x1xf32> to vector<16x1xf32>
      %broadcast_in_dim3A_412 = vector.broadcast %broadcast_in_dim3A_411 : vector<16x1xf32> to vector<16x4352xf32>
      %select_n3A_413 = arith.select %broadcast_in_dim3A_410, %broadcast_in_dim3A_412, %select_n3A_400 : vector<16x4352xi1>, vector<16x4352xf32>
      %get3A_414 = arith.constant 15 : index
      %get3A_415 = arith.constant 0 : index
      %get3A_416 = vector.load %arg1[%get3A_414, %get3A_415] : memref<32x16xf32, #tpu.memory_space<vmem>>, vector<1x16xf32>
      %get3A_417 = vector.shape_cast %get3A_416 : vector<1x16xf32> to vector<16xf32>
      %reshape3A_418 = vector.shape_cast %get3A_417 : vector<16xf32> to vector<16x1xf32>
      %eq3A_419 = arith.constant 15 : i32
      %eq3A_420 = vector.broadcast %eq3A_419 : i32 to vector<1x4352xi32>
      %eq3A_421 = arith.cmpi eq, %add3A_217, %eq3A_420 : vector<1x4352xi32>
      %broadcast_in_dim3A_422 = vector.shape_cast %eq3A_421 : vector<1x4352xi1> to vector<1x4352xi1>
      %broadcast_in_dim3A_423 = vector.broadcast %broadcast_in_dim3A_422 : vector<1x4352xi1> to vector<16x4352xi1>
      %broadcast_in_dim3A_424 = vector.shape_cast %reshape3A_418 : vector<16x1xf32> to vector<16x1xf32>
      %broadcast_in_dim3A_425 = vector.broadcast %broadcast_in_dim3A_424 : vector<16x1xf32> to vector<16x4352xf32>
      %select_n3A_426 = arith.select %broadcast_in_dim3A_423, %broadcast_in_dim3A_425, %select_n3A_413 : vector<16x4352xi1>, vector<16x4352xf32>
      %get3A_427 = arith.constant 16 : index
      %get3A_428 = arith.constant 0 : index
      %get3A_429 = vector.load %arg1[%get3A_427, %get3A_428] : memref<32x16xf32, #tpu.memory_space<vmem>>, vector<1x16xf32>
      %get3A_430 = vector.shape_cast %get3A_429 : vector<1x16xf32> to vector<16xf32>
      %reshape3A_431 = vector.shape_cast %get3A_430 : vector<16xf32> to vector<16x1xf32>
      %eq3A_432 = arith.constant 16 : i32
      %eq3A_433 = vector.broadcast %eq3A_432 : i32 to vector<1x4352xi32>
      %eq3A_434 = arith.cmpi eq, %add3A_217, %eq3A_433 : vector<1x4352xi32>
      %broadcast_in_dim3A_435 = vector.shape_cast %eq3A_434 : vector<1x4352xi1> to vector<1x4352xi1>
      %broadcast_in_dim3A_436 = vector.broadcast %broadcast_in_dim3A_435 : vector<1x4352xi1> to vector<16x4352xi1>
      %broadcast_in_dim3A_437 = vector.shape_cast %reshape3A_431 : vector<16x1xf32> to vector<16x1xf32>
      %broadcast_in_dim3A_438 = vector.broadcast %broadcast_in_dim3A_437 : vector<16x1xf32> to vector<16x4352xf32>
      %select_n3A_439 = arith.select %broadcast_in_dim3A_436, %broadcast_in_dim3A_438, %select_n3A_426 : vector<16x4352xi1>, vector<16x4352xf32>
      %get3A_440 = arith.constant 17 : index
      %get3A_441 = arith.constant 0 : index
      %get3A_442 = vector.load %arg1[%get3A_440, %get3A_441] : memref<32x16xf32, #tpu.memory_space<vmem>>, vector<1x16xf32>
      %get3A_443 = vector.shape_cast %get3A_442 : vector<1x16xf32> to vector<16xf32>
      %reshape3A_444 = vector.shape_cast %get3A_443 : vector<16xf32> to vector<16x1xf32>
      %eq3A_445 = arith.constant 17 : i32
      %eq3A_446 = vector.broadcast %eq3A_445 : i32 to vector<1x4352xi32>
      %eq3A_447 = arith.cmpi eq, %add3A_217, %eq3A_446 : vector<1x4352xi32>
      %broadcast_in_dim3A_448 = vector.shape_cast %eq3A_447 : vector<1x4352xi1> to vector<1x4352xi1>
      %broadcast_in_dim3A_449 = vector.broadcast %broadcast_in_dim3A_448 : vector<1x4352xi1> to vector<16x4352xi1>
      %broadcast_in_dim3A_450 = vector.shape_cast %reshape3A_444 : vector<16x1xf32> to vector<16x1xf32>
      %broadcast_in_dim3A_451 = vector.broadcast %broadcast_in_dim3A_450 : vector<16x1xf32> to vector<16x4352xf32>
      %select_n3A_452 = arith.select %broadcast_in_dim3A_449, %broadcast_in_dim3A_451, %select_n3A_439 : vector<16x4352xi1>, vector<16x4352xf32>
      %get3A_453 = arith.constant 18 : index
      %get3A_454 = arith.constant 0 : index
      %get3A_455 = vector.load %arg1[%get3A_453, %get3A_454] : memref<32x16xf32, #tpu.memory_space<vmem>>, vector<1x16xf32>
      %get3A_456 = vector.shape_cast %get3A_455 : vector<1x16xf32> to vector<16xf32>
      %reshape3A_457 = vector.shape_cast %get3A_456 : vector<16xf32> to vector<16x1xf32>
      %eq3A_458 = arith.constant 18 : i32
      %eq3A_459 = vector.broadcast %eq3A_458 : i32 to vector<1x4352xi32>
      %eq3A_460 = arith.cmpi eq, %add3A_217, %eq3A_459 : vector<1x4352xi32>
      %broadcast_in_dim3A_461 = vector.shape_cast %eq3A_460 : vector<1x4352xi1> to vector<1x4352xi1>
      %broadcast_in_dim3A_462 = vector.broadcast %broadcast_in_dim3A_461 : vector<1x4352xi1> to vector<16x4352xi1>
      %broadcast_in_dim3A_463 = vector.shape_cast %reshape3A_457 : vector<16x1xf32> to vector<16x1xf32>
      %broadcast_in_dim3A_464 = vector.broadcast %broadcast_in_dim3A_463 : vector<16x1xf32> to vector<16x4352xf32>
      %select_n3A_465 = arith.select %broadcast_in_dim3A_462, %broadcast_in_dim3A_464, %select_n3A_452 : vector<16x4352xi1>, vector<16x4352xf32>
      %get3A_466 = arith.constant 19 : index
      %get3A_467 = arith.constant 0 : index
      %get3A_468 = vector.load %arg1[%get3A_466, %get3A_467] : memref<32x16xf32, #tpu.memory_space<vmem>>, vector<1x16xf32>
      %get3A_469 = vector.shape_cast %get3A_468 : vector<1x16xf32> to vector<16xf32>
      %reshape3A_470 = vector.shape_cast %get3A_469 : vector<16xf32> to vector<16x1xf32>
      %eq3A_471 = arith.constant 19 : i32
      %eq3A_472 = vector.broadcast %eq3A_471 : i32 to vector<1x4352xi32>
      %eq3A_473 = arith.cmpi eq, %add3A_217, %eq3A_472 : vector<1x4352xi32>
      %broadcast_in_dim3A_474 = vector.shape_cast %eq3A_473 : vector<1x4352xi1> to vector<1x4352xi1>
      %broadcast_in_dim3A_475 = vector.broadcast %broadcast_in_dim3A_474 : vector<1x4352xi1> to vector<16x4352xi1>
      %broadcast_in_dim3A_476 = vector.shape_cast %reshape3A_470 : vector<16x1xf32> to vector<16x1xf32>
      %broadcast_in_dim3A_477 = vector.broadcast %broadcast_in_dim3A_476 : vector<16x1xf32> to vector<16x4352xf32>
      %select_n3A_478 = arith.select %broadcast_in_dim3A_475, %broadcast_in_dim3A_477, %select_n3A_465 : vector<16x4352xi1>, vector<16x4352xf32>
      %get3A_479 = arith.constant 20 : index
      %get3A_480 = arith.constant 0 : index
      %get3A_481 = vector.load %arg1[%get3A_479, %get3A_480] : memref<32x16xf32, #tpu.memory_space<vmem>>, vector<1x16xf32>
      %get3A_482 = vector.shape_cast %get3A_481 : vector<1x16xf32> to vector<16xf32>
      %reshape3A_483 = vector.shape_cast %get3A_482 : vector<16xf32> to vector<16x1xf32>
      %eq3A_484 = arith.constant 20 : i32
      %eq3A_485 = vector.broadcast %eq3A_484 : i32 to vector<1x4352xi32>
      %eq3A_486 = arith.cmpi eq, %add3A_217, %eq3A_485 : vector<1x4352xi32>
      %broadcast_in_dim3A_487 = vector.shape_cast %eq3A_486 : vector<1x4352xi1> to vector<1x4352xi1>
      %broadcast_in_dim3A_488 = vector.broadcast %broadcast_in_dim3A_487 : vector<1x4352xi1> to vector<16x4352xi1>
      %broadcast_in_dim3A_489 = vector.shape_cast %reshape3A_483 : vector<16x1xf32> to vector<16x1xf32>
      %broadcast_in_dim3A_490 = vector.broadcast %broadcast_in_dim3A_489 : vector<16x1xf32> to vector<16x4352xf32>
      %select_n3A_491 = arith.select %broadcast_in_dim3A_488, %broadcast_in_dim3A_490, %select_n3A_478 : vector<16x4352xi1>, vector<16x4352xf32>
      %get3A_492 = arith.constant 21 : index
      %get3A_493 = arith.constant 0 : index
      %get3A_494 = vector.load %arg1[%get3A_492, %get3A_493] : memref<32x16xf32, #tpu.memory_space<vmem>>, vector<1x16xf32>
      %get3A_495 = vector.shape_cast %get3A_494 : vector<1x16xf32> to vector<16xf32>
      %reshape3A_496 = vector.shape_cast %get3A_495 : vector<16xf32> to vector<16x1xf32>
      %eq3A_497 = arith.constant 21 : i32
      %eq3A_498 = vector.broadcast %eq3A_497 : i32 to vector<1x4352xi32>
      %eq3A_499 = arith.cmpi eq, %add3A_217, %eq3A_498 : vector<1x4352xi32>
      %broadcast_in_dim3A_500 = vector.shape_cast %eq3A_499 : vector<1x4352xi1> to vector<1x4352xi1>
      %broadcast_in_dim3A_501 = vector.broadcast %broadcast_in_dim3A_500 : vector<1x4352xi1> to vector<16x4352xi1>
      %broadcast_in_dim3A_502 = vector.shape_cast %reshape3A_496 : vector<16x1xf32> to vector<16x1xf32>
      %broadcast_in_dim3A_503 = vector.broadcast %broadcast_in_dim3A_502 : vector<16x1xf32> to vector<16x4352xf32>
      %select_n3A_504 = arith.select %broadcast_in_dim3A_501, %broadcast_in_dim3A_503, %select_n3A_491 : vector<16x4352xi1>, vector<16x4352xf32>
      %get3A_505 = arith.constant 22 : index
      %get3A_506 = arith.constant 0 : index
      %get3A_507 = vector.load %arg1[%get3A_505, %get3A_506] : memref<32x16xf32, #tpu.memory_space<vmem>>, vector<1x16xf32>
      %get3A_508 = vector.shape_cast %get3A_507 : vector<1x16xf32> to vector<16xf32>
      %reshape3A_509 = vector.shape_cast %get3A_508 : vector<16xf32> to vector<16x1xf32>
      %eq3A_510 = arith.constant 22 : i32
      %eq3A_511 = vector.broadcast %eq3A_510 : i32 to vector<1x4352xi32>
      %eq3A_512 = arith.cmpi eq, %add3A_217, %eq3A_511 : vector<1x4352xi32>
      %broadcast_in_dim3A_513 = vector.shape_cast %eq3A_512 : vector<1x4352xi1> to vector<1x4352xi1>
      %broadcast_in_dim3A_514 = vector.broadcast %broadcast_in_dim3A_513 : vector<1x4352xi1> to vector<16x4352xi1>
      %broadcast_in_dim3A_515 = vector.shape_cast %reshape3A_509 : vector<16x1xf32> to vector<16x1xf32>
      %broadcast_in_dim3A_516 = vector.broadcast %broadcast_in_dim3A_515 : vector<16x1xf32> to vector<16x4352xf32>
      %select_n3A_517 = arith.select %broadcast_in_dim3A_514, %broadcast_in_dim3A_516, %select_n3A_504 : vector<16x4352xi1>, vector<16x4352xf32>
      %get3A_518 = arith.constant 23 : index
      %get3A_519 = arith.constant 0 : index
      %get3A_520 = vector.load %arg1[%get3A_518, %get3A_519] : memref<32x16xf32, #tpu.memory_space<vmem>>, vector<1x16xf32>
      %get3A_521 = vector.shape_cast %get3A_520 : vector<1x16xf32> to vector<16xf32>
      %reshape3A_522 = vector.shape_cast %get3A_521 : vector<16xf32> to vector<16x1xf32>
      %eq3A_523 = arith.constant 23 : i32
      %eq3A_524 = vector.broadcast %eq3A_523 : i32 to vector<1x4352xi32>
      %eq3A_525 = arith.cmpi eq, %add3A_217, %eq3A_524 : vector<1x4352xi32>
      %broadcast_in_dim3A_526 = vector.shape_cast %eq3A_525 : vector<1x4352xi1> to vector<1x4352xi1>
      %broadcast_in_dim3A_527 = vector.broadcast %broadcast_in_dim3A_526 : vector<1x4352xi1> to vector<16x4352xi1>
      %broadcast_in_dim3A_528 = vector.shape_cast %reshape3A_522 : vector<16x1xf32> to vector<16x1xf32>
      %broadcast_in_dim3A_529 = vector.broadcast %broadcast_in_dim3A_528 : vector<16x1xf32> to vector<16x4352xf32>
      %select_n3A_530 = arith.select %broadcast_in_dim3A_527, %broadcast_in_dim3A_529, %select_n3A_517 : vector<16x4352xi1>, vector<16x4352xf32>
      %get3A_531 = arith.constant 24 : index
      %get3A_532 = arith.constant 0 : index
      %get3A_533 = vector.load %arg1[%get3A_531, %get3A_532] : memref<32x16xf32, #tpu.memory_space<vmem>>, vector<1x16xf32>
      %get3A_534 = vector.shape_cast %get3A_533 : vector<1x16xf32> to vector<16xf32>
      %reshape3A_535 = vector.shape_cast %get3A_534 : vector<16xf32> to vector<16x1xf32>
      %eq3A_536 = arith.constant 24 : i32
      %eq3A_537 = vector.broadcast %eq3A_536 : i32 to vector<1x4352xi32>
      %eq3A_538 = arith.cmpi eq, %add3A_217, %eq3A_537 : vector<1x4352xi32>
      %broadcast_in_dim3A_539 = vector.shape_cast %eq3A_538 : vector<1x4352xi1> to vector<1x4352xi1>
      %broadcast_in_dim3A_540 = vector.broadcast %broadcast_in_dim3A_539 : vector<1x4352xi1> to vector<16x4352xi1>
      %broadcast_in_dim3A_541 = vector.shape_cast %reshape3A_535 : vector<16x1xf32> to vector<16x1xf32>
      %broadcast_in_dim3A_542 = vector.broadcast %broadcast_in_dim3A_541 : vector<16x1xf32> to vector<16x4352xf32>
      %select_n3A_543 = arith.select %broadcast_in_dim3A_540, %broadcast_in_dim3A_542, %select_n3A_530 : vector<16x4352xi1>, vector<16x4352xf32>
      %get3A_544 = arith.constant 25 : index
      %get3A_545 = arith.constant 0 : index
      %get3A_546 = vector.load %arg1[%get3A_544, %get3A_545] : memref<32x16xf32, #tpu.memory_space<vmem>>, vector<1x16xf32>
      %get3A_547 = vector.shape_cast %get3A_546 : vector<1x16xf32> to vector<16xf32>
      %reshape3A_548 = vector.shape_cast %get3A_547 : vector<16xf32> to vector<16x1xf32>
      %eq3A_549 = arith.constant 25 : i32
      %eq3A_550 = vector.broadcast %eq3A_549 : i32 to vector<1x4352xi32>
      %eq3A_551 = arith.cmpi eq, %add3A_217, %eq3A_550 : vector<1x4352xi32>
      %broadcast_in_dim3A_552 = vector.shape_cast %eq3A_551 : vector<1x4352xi1> to vector<1x4352xi1>
      %broadcast_in_dim3A_553 = vector.broadcast %broadcast_in_dim3A_552 : vector<1x4352xi1> to vector<16x4352xi1>
      %broadcast_in_dim3A_554 = vector.shape_cast %reshape3A_548 : vector<16x1xf32> to vector<16x1xf32>
      %broadcast_in_dim3A_555 = vector.broadcast %broadcast_in_dim3A_554 : vector<16x1xf32> to vector<16x4352xf32>
      %select_n3A_556 = arith.select %broadcast_in_dim3A_553, %broadcast_in_dim3A_555, %select_n3A_543 : vector<16x4352xi1>, vector<16x4352xf32>
      %get3A_557 = arith.constant 26 : index
      %get3A_558 = arith.constant 0 : index
      %get3A_559 = vector.load %arg1[%get3A_557, %get3A_558] : memref<32x16xf32, #tpu.memory_space<vmem>>, vector<1x16xf32>
      %get3A_560 = vector.shape_cast %get3A_559 : vector<1x16xf32> to vector<16xf32>
      %reshape3A_561 = vector.shape_cast %get3A_560 : vector<16xf32> to vector<16x1xf32>
      %eq3A_562 = arith.constant 26 : i32
      %eq3A_563 = vector.broadcast %eq3A_562 : i32 to vector<1x4352xi32>
      %eq3A_564 = arith.cmpi eq, %add3A_217, %eq3A_563 : vector<1x4352xi32>
      %broadcast_in_dim3A_565 = vector.shape_cast %eq3A_564 : vector<1x4352xi1> to vector<1x4352xi1>
      %broadcast_in_dim3A_566 = vector.broadcast %broadcast_in_dim3A_565 : vector<1x4352xi1> to vector<16x4352xi1>
      %broadcast_in_dim3A_567 = vector.shape_cast %reshape3A_561 : vector<16x1xf32> to vector<16x1xf32>
      %broadcast_in_dim3A_568 = vector.broadcast %broadcast_in_dim3A_567 : vector<16x1xf32> to vector<16x4352xf32>
      %select_n3A_569 = arith.select %broadcast_in_dim3A_566, %broadcast_in_dim3A_568, %select_n3A_556 : vector<16x4352xi1>, vector<16x4352xf32>
      %get3A_570 = arith.constant 27 : index
      %get3A_571 = arith.constant 0 : index
      %get3A_572 = vector.load %arg1[%get3A_570, %get3A_571] : memref<32x16xf32, #tpu.memory_space<vmem>>, vector<1x16xf32>
      %get3A_573 = vector.shape_cast %get3A_572 : vector<1x16xf32> to vector<16xf32>
      %reshape3A_574 = vector.shape_cast %get3A_573 : vector<16xf32> to vector<16x1xf32>
      %eq3A_575 = arith.constant 27 : i32
      %eq3A_576 = vector.broadcast %eq3A_575 : i32 to vector<1x4352xi32>
      %eq3A_577 = arith.cmpi eq, %add3A_217, %eq3A_576 : vector<1x4352xi32>
      %broadcast_in_dim3A_578 = vector.shape_cast %eq3A_577 : vector<1x4352xi1> to vector<1x4352xi1>
      %broadcast_in_dim3A_579 = vector.broadcast %broadcast_in_dim3A_578 : vector<1x4352xi1> to vector<16x4352xi1>
      %broadcast_in_dim3A_580 = vector.shape_cast %reshape3A_574 : vector<16x1xf32> to vector<16x1xf32>
      %broadcast_in_dim3A_581 = vector.broadcast %broadcast_in_dim3A_580 : vector<16x1xf32> to vector<16x4352xf32>
      %select_n3A_582 = arith.select %broadcast_in_dim3A_579, %broadcast_in_dim3A_581, %select_n3A_569 : vector<16x4352xi1>, vector<16x4352xf32>
      %get3A_583 = arith.constant 28 : index
      %get3A_584 = arith.constant 0 : index
      %get3A_585 = vector.load %arg1[%get3A_583, %get3A_584] : memref<32x16xf32, #tpu.memory_space<vmem>>, vector<1x16xf32>
      %get3A_586 = vector.shape_cast %get3A_585 : vector<1x16xf32> to vector<16xf32>
      %reshape3A_587 = vector.shape_cast %get3A_586 : vector<16xf32> to vector<16x1xf32>
      %eq3A_588 = arith.constant 28 : i32
      %eq3A_589 = vector.broadcast %eq3A_588 : i32 to vector<1x4352xi32>
      %eq3A_590 = arith.cmpi eq, %add3A_217, %eq3A_589 : vector<1x4352xi32>
      %broadcast_in_dim3A_591 = vector.shape_cast %eq3A_590 : vector<1x4352xi1> to vector<1x4352xi1>
      %broadcast_in_dim3A_592 = vector.broadcast %broadcast_in_dim3A_591 : vector<1x4352xi1> to vector<16x4352xi1>
      %broadcast_in_dim3A_593 = vector.shape_cast %reshape3A_587 : vector<16x1xf32> to vector<16x1xf32>
      %broadcast_in_dim3A_594 = vector.broadcast %broadcast_in_dim3A_593 : vector<16x1xf32> to vector<16x4352xf32>
      %select_n3A_595 = arith.select %broadcast_in_dim3A_592, %broadcast_in_dim3A_594, %select_n3A_582 : vector<16x4352xi1>, vector<16x4352xf32>
      %get3A_596 = arith.constant 29 : index
      %get3A_597 = arith.constant 0 : index
      %get3A_598 = vector.load %arg1[%get3A_596, %get3A_597] : memref<32x16xf32, #tpu.memory_space<vmem>>, vector<1x16xf32>
      %get3A_599 = vector.shape_cast %get3A_598 : vector<1x16xf32> to vector<16xf32>
      %reshape3A_600 = vector.shape_cast %get3A_599 : vector<16xf32> to vector<16x1xf32>
      %eq3A_601 = arith.constant 29 : i32
      %eq3A_602 = vector.broadcast %eq3A_601 : i32 to vector<1x4352xi32>
      %eq3A_603 = arith.cmpi eq, %add3A_217, %eq3A_602 : vector<1x4352xi32>
      %broadcast_in_dim3A_604 = vector.shape_cast %eq3A_603 : vector<1x4352xi1> to vector<1x4352xi1>
      %broadcast_in_dim3A_605 = vector.broadcast %broadcast_in_dim3A_604 : vector<1x4352xi1> to vector<16x4352xi1>
      %broadcast_in_dim3A_606 = vector.shape_cast %reshape3A_600 : vector<16x1xf32> to vector<16x1xf32>
      %broadcast_in_dim3A_607 = vector.broadcast %broadcast_in_dim3A_606 : vector<16x1xf32> to vector<16x4352xf32>
      %select_n3A_608 = arith.select %broadcast_in_dim3A_605, %broadcast_in_dim3A_607, %select_n3A_595 : vector<16x4352xi1>, vector<16x4352xf32>
      %get3A_609 = arith.constant 30 : index
      %get3A_610 = arith.constant 0 : index
      %get3A_611 = vector.load %arg1[%get3A_609, %get3A_610] : memref<32x16xf32, #tpu.memory_space<vmem>>, vector<1x16xf32>
      %get3A_612 = vector.shape_cast %get3A_611 : vector<1x16xf32> to vector<16xf32>
      %reshape3A_613 = vector.shape_cast %get3A_612 : vector<16xf32> to vector<16x1xf32>
      %eq3A_614 = arith.constant 30 : i32
      %eq3A_615 = vector.broadcast %eq3A_614 : i32 to vector<1x4352xi32>
      %eq3A_616 = arith.cmpi eq, %add3A_217, %eq3A_615 : vector<1x4352xi32>
      %broadcast_in_dim3A_617 = vector.shape_cast %eq3A_616 : vector<1x4352xi1> to vector<1x4352xi1>
      %broadcast_in_dim3A_618 = vector.broadcast %broadcast_in_dim3A_617 : vector<1x4352xi1> to vector<16x4352xi1>
      %broadcast_in_dim3A_619 = vector.shape_cast %reshape3A_613 : vector<16x1xf32> to vector<16x1xf32>
      %broadcast_in_dim3A_620 = vector.broadcast %broadcast_in_dim3A_619 : vector<16x1xf32> to vector<16x4352xf32>
      %select_n3A_621 = arith.select %broadcast_in_dim3A_618, %broadcast_in_dim3A_620, %select_n3A_608 : vector<16x4352xi1>, vector<16x4352xf32>
      %get3A_622 = arith.constant 31 : index
      %get3A_623 = arith.constant 0 : index
      %get3A_624 = vector.load %arg1[%get3A_622, %get3A_623] : memref<32x16xf32, #tpu.memory_space<vmem>>, vector<1x16xf32>
      %get3A_625 = vector.shape_cast %get3A_624 : vector<1x16xf32> to vector<16xf32>
      %reshape3A_626 = vector.shape_cast %get3A_625 : vector<16xf32> to vector<16x1xf32>
      %eq3A_627 = arith.constant 31 : i32
      %eq3A_628 = vector.broadcast %eq3A_627 : i32 to vector<1x4352xi32>
      %eq3A_629 = arith.cmpi eq, %add3A_217, %eq3A_628 : vector<1x4352xi32>
      %broadcast_in_dim3A_630 = vector.shape_cast %eq3A_629 : vector<1x4352xi1> to vector<1x4352xi1>
      %broadcast_in_dim3A_631 = vector.broadcast %broadcast_in_dim3A_630 : vector<1x4352xi1> to vector<16x4352xi1>
      %broadcast_in_dim3A_632 = vector.shape_cast %reshape3A_626 : vector<16x1xf32> to vector<16x1xf32>
      %broadcast_in_dim3A_633 = vector.broadcast %broadcast_in_dim3A_632 : vector<16x1xf32> to vector<16x4352xf32>
      %select_n3A_634 = arith.select %broadcast_in_dim3A_631, %broadcast_in_dim3A_633, %select_n3A_621 : vector<16x4352xi1>, vector<16x4352xf32>
      %swap3A_635 = arith.constant 0 : index
      %swap3A_636 = arith.constant 0 : index
      %swap3A_637 = vector.load %arg3[%swap3A_635, %swap3A_636] : memref<16x4352xf32, #tpu.memory_space<vmem>>, vector<16x4352xf32>
      tpu.vector_store %arg3[%swap3A_635, %swap3A_636], %select_n3A_634 {strides = array<i32>} : memref<16x4352xf32, #tpu.memory_space<vmem>>, vector<16x4352xf32>,
    } else {
    }
    %ge3A = arith.constant 2 : i32
    %ge3A_3 = arith.cmpi sge, %arg0, %ge3A : i32
    %convert_element_type3A_4 = arith.extui %ge3A_3 : i1 to i32
    %cond3A_5 = arith.constant 0 : i32
    %cond3A_6 = arith.cmpi ne, %convert_element_type3A_4, %cond3A_5 : i32
    scf.if %cond3A_6 {
      %sub3A = arith.constant 2 : i32
      %sub3A_166 = arith.subi %arg0, %sub3A : i32
      %mul3A_167 = arith.constant 4 : i32
      %mul3A_168 = arith.muli %rem3A_0, %mul3A_167 : i32
      %add3A_169 = arith.constant 0 : i32
      %add3A_170 = arith.addi %mul3A_168, %add3A_169 : i32
      %mul3A_171 = arith.constant 4 : i32
      %mul3A_172 = arith.muli %sub3A_166, %mul3A_171 : i32
      %add3A_173 = arith.constant 0 : i32
      %add3A_174 = arith.addi %mul3A_172, %add3A_173 : i32
      %dma_wait3A = tpu.memref_slice %arg5[%add3A_170] : memref<8x!tpu.dma_semaphore, #tpu.memory_space<semaphore_mem>> -> memref<1x!tpu.dma_semaphore, #tpu.memory_space<semaphore_mem>>
      %dma_wait3A_175 = tpu.memref_squeeze %dma_wait3A : memref<1x!tpu.dma_semaphore, #tpu.memory_space<semaphore_mem>> -> memref<!tpu.dma_semaphore, #tpu.memory_space<semaphore_mem>>
      %dma_wait3A_176 = arith.constant 0 : i32
      %dma_wait3A_177 = arith.constant 0 : i32
      %dma_wait3A_178 = tpu.memref_slice %arg2[%dma_wait3A_176, %add3A_174, %dma_wait3A_177] : memref<16x136x4096xf32, #tpu.memory_space<any>> -> memref<16x1x4096xf32, #tpu.memory_space<any>>
      %dma_wait3A_179 = tpu.memref_squeeze %dma_wait3A_178 : memref<16x1x4096xf32, #tpu.memory_space<any>> -> memref<16x4096xf32, #tpu.memory_space<any>>
      %dma_wait3A_180 = arith.constant 0 : i32
      %dma_wait3A_181 = arith.constant 0 : i32
      %dma_wait3A_182 = tpu.memref_slice %arg4[%add3A_170, %dma_wait3A_180, %dma_wait3A_181] : memref<8x16x4352xf32, #tpu.memory_space<vmem>> -> memref<1x16x4096xf32, #tpu.memory_space<vmem>>
      %dma_wait3A_183 = tpu.memref_squeeze %dma_wait3A_182 : memref<1x16x4096xf32, #tpu.memory_space<vmem>> -> memref<16x4096xf32, #tpu.memory_space<vmem>>
      tpu.wait_dma2 semaphore(%dma_wait3A_175 : memref<!tpu.dma_semaphore, #tpu.memory_space<semaphore_mem>>) src(%dma_wait3A_183 : memref<16x4096xf32, #tpu.memory_space<vmem>>) dst(%dma_wait3A_179 : memref<16x4096xf32, #tpu.memory_space<any>>)
      %sub3A_184 = arith.constant 2 : i32
      %sub3A_185 = arith.subi %arg0, %sub3A_184 : i32
      %mul3A_186 = arith.constant 4 : i32
      %mul3A_187 = arith.muli %rem3A_0, %mul3A_186 : i32
      %add3A_188 = arith.constant 1 : i32
      %add3A_189 = arith.addi %mul3A_187, %add3A_188 : i32
      %mul3A_190 = arith.constant 4 : i32
      %mul3A_191 = arith.muli %sub3A_185, %mul3A_190 : i32
      %add3A_192 = arith.constant 1 : i32
      %add3A_193 = arith.addi %mul3A_191, %add3A_192 : i32
      %dma_wait3A_194 = tpu.memref_slice %arg5[%add3A_189] : memref<8x!tpu.dma_semaphore, #tpu.memory_space<semaphore_mem>> -> memref<1x!tpu.dma_semaphore, #tpu.memory_space<semaphore_mem>>
      %dma_wait3A_195 = tpu.memref_squeeze %dma_wait3A_194 : memref<1x!tpu.dma_semaphore, #tpu.memory_space<semaphore_mem>> -> memref<!tpu.dma_semaphore, #tpu.memory_space<semaphore_mem>>
      %dma_wait3A_196 = arith.constant 0 : i32
      %dma_wait3A_197 = arith.constant 0 : i32
      %dma_wait3A_198 = tpu.memref_slice %arg2[%dma_wait3A_196, %add3A_193, %dma_wait3A_197] : memref<16x136x4096xf32, #tpu.memory_space<any>> -> memref<16x1x4096xf32, #tpu.memory_space<any>>
      %dma_wait3A_199 = tpu.memref_squeeze %dma_wait3A_198 : memref<16x1x4096xf32, #tpu.memory_space<any>> -> memref<16x4096xf32, #tpu.memory_space<any>>
      %dma_wait3A_200 = arith.constant 0 : i32
      %dma_wait3A_201 = arith.constant 0 : i32
      %dma_wait3A_202 = tpu.memref_slice %arg4[%add3A_189, %dma_wait3A_200, %dma_wait3A_201] : memref<8x16x4352xf32, #tpu.memory_space<vmem>> -> memref<1x16x4096xf32, #tpu.memory_space<vmem>>
      %dma_wait3A_203 = tpu.memref_squeeze %dma_wait3A_202 : memref<1x16x4096xf32, #tpu.memory_space<vmem>> -> memref<16x4096xf32, #tpu.memory_space<vmem>>
      tpu.wait_dma2 semaphore(%dma_wait3A_195 : memref<!tpu.dma_semaphore, #tpu.memory_space<semaphore_mem>>) src(%dma_wait3A_203 : memref<16x4096xf32, #tpu.memory_space<vmem>>) dst(%dma_wait3A_199 : memref<16x4096xf32, #tpu.memory_space<any>>)
      %sub3A_204 = arith.constant 2 : i32
      %sub3A_205 = arith.subi %arg0, %sub3A_204 : i32
      %mul3A_206 = arith.constant 4 : i32
      %mul3A_207 = arith.muli %rem3A_0, %mul3A_206 : i32
      %add3A_208 = arith.constant 2 : i32
      %add3A_209 = arith.addi %mul3A_207, %add3A_208 : i32
      %mul3A_210 = arith.constant 4 : i32
      %mul3A_211 = arith.muli %sub3A_205, %mul3A_210 : i32
      %add3A_212 = arith.constant 2 : i32
      %add3A_213 = arith.addi %mul3A_211, %add3A_212 : i32
      %dma_wait3A_214 = tpu.memref_slice %arg5[%add3A_209] : memref<8x!tpu.dma_semaphore, #tpu.memory_space<semaphore_mem>> -> memref<1x!tpu.dma_semaphore, #tpu.memory_space<semaphore_mem>>
      %dma_wait3A_215 = tpu.memref_squeeze %dma_wait3A_214 : memref<1x!tpu.dma_semaphore, #tpu.memory_space<semaphore_mem>> -> memref<!tpu.dma_semaphore, #tpu.memory_space<semaphore_mem>>
      %dma_wait3A_216 = arith.constant 0 : i32
      %dma_wait3A_217 = arith.constant 0 : i32
      %dma_wait3A_218 = tpu.memref_slice %arg2[%dma_wait3A_216, %add3A_213, %dma_wait3A_217] : memref<16x136x4096xf32, #tpu.memory_space<any>> -> memref<16x1x4096xf32, #tpu.memory_space<any>>
      %dma_wait3A_219 = tpu.memref_squeeze %dma_wait3A_218 : memref<16x1x4096xf32, #tpu.memory_space<any>> -> memref<16x4096xf32, #tpu.memory_space<any>>
      %dma_wait3A_220 = arith.constant 0 : i32
      %dma_wait3A_221 = arith.constant 0 : i32
      %dma_wait3A_222 = tpu.memref_slice %arg4[%add3A_209, %dma_wait3A_220, %dma_wait3A_221] : memref<8x16x4352xf32, #tpu.memory_space<vmem>> -> memref<1x16x4096xf32, #tpu.memory_space<vmem>>
      %dma_wait3A_223 = tpu.memref_squeeze %dma_wait3A_222 : memref<1x16x4096xf32, #tpu.memory_space<vmem>> -> memref<16x4096xf32, #tpu.memory_space<vmem>>
      tpu.wait_dma2 semaphore(%dma_wait3A_215 : memref<!tpu.dma_semaphore, #tpu.memory_space<semaphore_mem>>) src(%dma_wait3A_223 : memref<16x4096xf32, #tpu.memory_space<vmem>>) dst(%dma_wait3A_219 : memref<16x4096xf32, #tpu.memory_space<any>>)
      %sub3A_224 = arith.constant 2 : i32
      %sub3A_225 = arith.subi %arg0, %sub3A_224 : i32
      %mul3A_226 = arith.constant 4 : i32
      %mul3A_227 = arith.muli %rem3A_0, %mul3A_226 : i32
      %add3A_228 = arith.constant 3 : i32
      %add3A_229 = arith.addi %mul3A_227, %add3A_228 : i32
      %mul3A_230 = arith.constant 4 : i32
      %mul3A_231 = arith.muli %sub3A_225, %mul3A_230 : i32
      %add3A_232 = arith.constant 3 : i32
      %add3A_233 = arith.addi %mul3A_231, %add3A_232 : i32
      %dma_wait3A_234 = tpu.memref_slice %arg5[%add3A_229] : memref<8x!tpu.dma_semaphore, #tpu.memory_space<semaphore_mem>> -> memref<1x!tpu.dma_semaphore, #tpu.memory_space<semaphore_mem>>
      %dma_wait3A_235 = tpu.memref_squeeze %dma_wait3A_234 : memref<1x!tpu.dma_semaphore, #tpu.memory_space<semaphore_mem>> -> memref<!tpu.dma_semaphore, #tpu.memory_space<semaphore_mem>>
      %dma_wait3A_236 = arith.constant 0 : i32
      %dma_wait3A_237 = arith.constant 0 : i32
      %dma_wait3A_238 = tpu.memref_slice %arg2[%dma_wait3A_236, %add3A_233, %dma_wait3A_237] : memref<16x136x4096xf32, #tpu.memory_space<any>> -> memref<16x1x4096xf32, #tpu.memory_space<any>>
      %dma_wait3A_239 = tpu.memref_squeeze %dma_wait3A_238 : memref<16x1x4096xf32, #tpu.memory_space<any>> -> memref<16x4096xf32, #tpu.memory_space<any>>
      %dma_wait3A_240 = arith.constant 0 : i32
      %dma_wait3A_241 = arith.constant 0 : i32
      %dma_wait3A_242 = tpu.memref_slice %arg4[%add3A_229, %dma_wait3A_240, %dma_wait3A_241] : memref<8x16x4352xf32, #tpu.memory_space<vmem>> -> memref<1x16x4096xf32, #tpu.memory_space<vmem>>
      %dma_wait3A_243 = tpu.memref_squeeze %dma_wait3A_242 : memref<1x16x4096xf32, #tpu.memory_space<vmem>> -> memref<16x4096xf32, #tpu.memory_space<vmem>>
      tpu.wait_dma2 semaphore(%dma_wait3A_235 : memref<!tpu.dma_semaphore, #tpu.memory_space<semaphore_mem>>) src(%dma_wait3A_243 : memref<16x4096xf32, #tpu.memory_space<vmem>>) dst(%dma_wait3A_239 : memref<16x4096xf32, #tpu.memory_space<any>>)
    } else {
    }
    %mul3A = arith.constant 4 : i32
    %mul3A_7 = arith.muli %arg0, %mul3A : i32
    %add3A = arith.constant 0 : i32
    %add3A_8 = arith.addi %mul3A_7, %add3A : i32
    %add3A_9 = arith.constant 4217 : i32
    %add3A_10 = arith.addi %add3A_9, %add3A_8 : i32
    %rem3A_11 = arith.constant 4352 : i32
    %rem3A_12 = arith.remsi %add3A_10, %rem3A_11 : i32
    %get3A = arith.constant 0 : index
    %get3A_13 = arith.constant 0 : index
    %get3A_14 = vector.load %arg3[%get3A, %get3A_13] : memref<16x4352xf32, #tpu.memory_space<vmem>>, vector<16x4352xf32>
    %roll3A = tpu.dynamic_rotate %get3A_14 by %rem3A_12 dim 1 : vector<16x4352xf32>, i32 -> vector<16x4352xf32>
    %mul3A_15 = arith.constant 4 : i32
    %mul3A_16 = arith.muli %rem3A_0, %mul3A_15 : i32
    %add3A_17 = arith.constant 0 : i32
    %add3A_18 = arith.addi %mul3A_16, %add3A_17 : i32
    %swap3A = arith.index_cast %add3A_18 : i32 to index
    %swap3A_19 = arith.constant 0 : index
    %swap3A_20 = arith.constant 0 : index
    %swap3A_21 = vector.load %arg4[%swap3A, %swap3A_19, %swap3A_20] : memref<8x16x4352xf32, #tpu.memory_space<vmem>>, vector<1x16x4352xf32>
    %swap3A_22 = vector.shape_cast %swap3A_21 : vector<1x16x4352xf32> to vector<16x4352xf32>
    %swap3A_23 = vector.shape_cast %roll3A : vector<16x4352xf32> to vector<1x16x4352xf32>
    tpu.vector_store %arg4[%swap3A, %swap3A_19, %swap3A_20], %swap3A_23 {strides = array<i32>} : memref<8x16x4352xf32, #tpu.memory_space<vmem>>, vector<1x16x4352xf32>,
    %mul3A_24 = arith.constant 4 : i32
    %mul3A_25 = arith.muli %rem3A_0, %mul3A_24 : i32
    %add3A_26 = arith.constant 0 : i32
    %add3A_27 = arith.addi %mul3A_25, %add3A_26 : i32
    %mul3A_28 = arith.constant 4 : i32
    %mul3A_29 = arith.muli %arg0, %mul3A_28 : i32
    %add3A_30 = arith.constant 0 : i32
    %add3A_31 = arith.addi %mul3A_29, %add3A_30 : i32
    %dma_start3A = tpu.memref_slice %arg5[%add3A_27] : memref<8x!tpu.dma_semaphore, #tpu.memory_space<semaphore_mem>> -> memref<1x!tpu.dma_semaphore, #tpu.memory_space<semaphore_mem>>
    %dma_start3A_32 = tpu.memref_squeeze %dma_start3A : memref<1x!tpu.dma_semaphore, #tpu.memory_space<semaphore_mem>> -> memref<!tpu.dma_semaphore, #tpu.memory_space<semaphore_mem>>
    %dma_start3A_33 = arith.constant 0 : i32
    %dma_start3A_34 = arith.constant 0 : i32
    %dma_start3A_35 = tpu.memref_slice %arg2[%dma_start3A_33, %add3A_31, %dma_start3A_34] : memref<16x136x4096xf32, #tpu.memory_space<any>> -> memref<16x1x4096xf32, #tpu.memory_space<any>>
    %dma_start3A_36 = tpu.memref_squeeze %dma_start3A_35 : memref<16x1x4096xf32, #tpu.memory_space<any>> -> memref<16x4096xf32, #tpu.memory_space<any>>
    %dma_start3A_37 = arith.constant 0 : i32
    %dma_start3A_38 = arith.constant 0 : i32
    %dma_start3A_39 = tpu.memref_slice %arg4[%add3A_27, %dma_start3A_37, %dma_start3A_38] : memref<8x16x4352xf32, #tpu.memory_space<vmem>> -> memref<1x16x4096xf32, #tpu.memory_space<vmem>>
    %dma_start3A_40 = tpu.memref_squeeze %dma_start3A_39 : memref<1x16x4096xf32, #tpu.memory_space<vmem>> -> memref<16x4096xf32, #tpu.memory_space<vmem>>
    tpu.enqueue_dma source(%dma_start3A_40 : memref<16x4096xf32, #tpu.memory_space<vmem>>) target(%dma_start3A_36 : memref<16x4096xf32, #tpu.memory_space<any>>) target_semaphore(%dma_start3A_32 : memref<!tpu.dma_semaphore, #tpu.memory_space<semaphore_mem>>)
    %mul3A_41 = arith.constant 4 : i32
    %mul3A_42 = arith.muli %arg0, %mul3A_41 : i32
    %add3A_43 = arith.constant 1 : i32
    %add3A_44 = arith.addi %mul3A_42, %add3A_43 : i32
    %add3A_45 = arith.constant 4217 : i32
    %add3A_46 = arith.addi %add3A_45, %add3A_44 : i32
    %rem3A_47 = arith.constant 4352 : i32
    %rem3A_48 = arith.remsi %add3A_46, %rem3A_47 : i32
    %get3A_49 = arith.constant 0 : index
    %get3A_50 = arith.constant 0 : index
    %get3A_51 = vector.load %arg3[%get3A_49, %get3A_50] : memref<16x4352xf32, #tpu.memory_space<vmem>>, vector<16x4352xf32>
    %roll3A_52 = tpu.dynamic_rotate %get3A_51 by %rem3A_48 dim 1 : vector<16x4352xf32>, i32 -> vector<16x4352xf32>
    %mul3A_53 = arith.constant 4 : i32
    %mul3A_54 = arith.muli %rem3A_0, %mul3A_53 : i32
    %add3A_55 = arith.constant 1 : i32
    %add3A_56 = arith.addi %mul3A_54, %add3A_55 : i32
    %swap3A_57 = arith.index_cast %add3A_56 : i32 to index
    %swap3A_58 = arith.constant 0 : index
    %swap3A_59 = arith.constant 0 : index
    %swap3A_60 = vector.load %arg4[%swap3A_57, %swap3A_58, %swap3A_59] : memref<8x16x4352xf32, #tpu.memory_space<vmem>>, vector<1x16x4352xf32>
    %swap3A_61 = vector.shape_cast %swap3A_60 : vector<1x16x4352xf32> to vector<16x4352xf32>
    %swap3A_62 = vector.shape_cast %roll3A_52 : vector<16x4352xf32> to vector<1x16x4352xf32>
    tpu.vector_store %arg4[%swap3A_57, %swap3A_58, %swap3A_59], %swap3A_62 {strides = array<i32>} : memref<8x16x4352xf32, #tpu.memory_space<vmem>>, vector<1x16x4352xf32>,
    %mul3A_63 = arith.constant 4 : i32
    %mul3A_64 = arith.muli %rem3A_0, %mul3A_63 : i32
    %add3A_65 = arith.constant 1 : i32
    %add3A_66 = arith.addi %mul3A_64, %add3A_65 : i32
    %mul3A_67 = arith.constant 4 : i32
    %mul3A_68 = arith.muli %arg0, %mul3A_67 : i32
    %add3A_69 = arith.constant 1 : i32
    %add3A_70 = arith.addi %mul3A_68, %add3A_69 : i32
    %dma_start3A_71 = tpu.memref_slice %arg5[%add3A_66] : memref<8x!tpu.dma_semaphore, #tpu.memory_space<semaphore_mem>> -> memref<1x!tpu.dma_semaphore, #tpu.memory_space<semaphore_mem>>
    %dma_start3A_72 = tpu.memref_squeeze %dma_start3A_71 : memref<1x!tpu.dma_semaphore, #tpu.memory_space<semaphore_mem>> -> memref<!tpu.dma_semaphore, #tpu.memory_space<semaphore_mem>>
    %dma_start3A_73 = arith.constant 0 : i32
    %dma_start3A_74 = arith.constant 0 : i32
    %dma_start3A_75 = tpu.memref_slice %arg2[%dma_start3A_73, %add3A_70, %dma_start3A_74] : memref<16x136x4096xf32, #tpu.memory_space<any>> -> memref<16x1x4096xf32, #tpu.memory_space<any>>
    %dma_start3A_76 = tpu.memref_squeeze %dma_start3A_75 : memref<16x1x4096xf32, #tpu.memory_space<any>> -> memref<16x4096xf32, #tpu.memory_space<any>>
    %dma_start3A_77 = arith.constant 0 : i32
    %dma_start3A_78 = arith.constant 0 : i32
    %dma_start3A_79 = tpu.memref_slice %arg4[%add3A_66, %dma_start3A_77, %dma_start3A_78] : memref<8x16x4352xf32, #tpu.memory_space<vmem>> -> memref<1x16x4096xf32, #tpu.memory_space<vmem>>
    %dma_start3A_80 = tpu.memref_squeeze %dma_start3A_79 : memref<1x16x4096xf32, #tpu.memory_space<vmem>> -> memref<16x4096xf32, #tpu.memory_space<vmem>>
    tpu.enqueue_dma source(%dma_start3A_80 : memref<16x4096xf32, #tpu.memory_space<vmem>>) target(%dma_start3A_76 : memref<16x4096xf32, #tpu.memory_space<any>>) target_semaphore(%dma_start3A_72 : memref<!tpu.dma_semaphore, #tpu.memory_space<semaphore_mem>>)
    %mul3A_81 = arith.constant 4 : i32
    %mul3A_82 = arith.muli %arg0, %mul3A_81 : i32
    %add3A_83 = arith.constant 2 : i32
    %add3A_84 = arith.addi %mul3A_82, %add3A_83 : i32
    %add3A_85 = arith.constant 4217 : i32
    %add3A_86 = arith.addi %add3A_85, %add3A_84 : i32
    %rem3A_87 = arith.constant 4352 : i32
    %rem3A_88 = arith.remsi %add3A_86, %rem3A_87 : i32
    %get3A_89 = arith.constant 0 : index
    %get3A_90 = arith.constant 0 : index
    %get3A_91 = vector.load %arg3[%get3A_89, %get3A_90] : memref<16x4352xf32, #tpu.memory_space<vmem>>, vector<16x4352xf32>
    %roll3A_92 = tpu.dynamic_rotate %get3A_91 by %rem3A_88 dim 1 : vector<16x4352xf32>, i32 -> vector<16x4352xf32>
    %mul3A_93 = arith.constant 4 : i32
    %mul3A_94 = arith.muli %rem3A_0, %mul3A_93 : i32
    %add3A_95 = arith.constant 2 : i32
    %add3A_96 = arith.addi %mul3A_94, %add3A_95 : i32
    %swap3A_97 = arith.index_cast %add3A_96 : i32 to index
    %swap3A_98 = arith.constant 0 : index
    %swap3A_99 = arith.constant 0 : index
    %swap3A_100 = vector.load %arg4[%swap3A_97, %swap3A_98, %swap3A_99] : memref<8x16x4352xf32, #tpu.memory_space<vmem>>, vector<1x16x4352xf32>
    %swap3A_101 = vector.shape_cast %swap3A_100 : vector<1x16x4352xf32> to vector<16x4352xf32>
    %swap3A_102 = vector.shape_cast %roll3A_92 : vector<16x4352xf32> to vector<1x16x4352xf32>
    tpu.vector_store %arg4[%swap3A_97, %swap3A_98, %swap3A_99], %swap3A_102 {strides = array<i32>} : memref<8x16x4352xf32, #tpu.memory_space<vmem>>, vector<1x16x4352xf32>,
    %mul3A_103 = arith.constant 4 : i32
    %mul3A_104 = arith.muli %rem3A_0, %mul3A_103 : i32
    %add3A_105 = arith.constant 2 : i32
    %add3A_106 = arith.addi %mul3A_104, %add3A_105 : i32
    %mul3A_107 = arith.constant 4 : i32
    %mul3A_108 = arith.muli %arg0, %mul3A_107 : i32
    %add3A_109 = arith.constant 2 : i32
    %add3A_110 = arith.addi %mul3A_108, %add3A_109 : i32
    %dma_start3A_111 = tpu.memref_slice %arg5[%add3A_106] : memref<8x!tpu.dma_semaphore, #tpu.memory_space<semaphore_mem>> -> memref<1x!tpu.dma_semaphore, #tpu.memory_space<semaphore_mem>>
    %dma_start3A_112 = tpu.memref_squeeze %dma_start3A_111 : memref<1x!tpu.dma_semaphore, #tpu.memory_space<semaphore_mem>> -> memref<!tpu.dma_semaphore, #tpu.memory_space<semaphore_mem>>
    %dma_start3A_113 = arith.constant 0 : i32
    %dma_start3A_114 = arith.constant 0 : i32
    %dma_start3A_115 = tpu.memref_slice %arg2[%dma_start3A_113, %add3A_110, %dma_start3A_114] : memref<16x136x4096xf32, #tpu.memory_space<any>> -> memref<16x1x4096xf32, #tpu.memory_space<any>>
    %dma_start3A_116 = tpu.memref_squeeze %dma_start3A_115 : memref<16x1x4096xf32, #tpu.memory_space<any>> -> memref<16x4096xf32, #tpu.memory_space<any>>
    %dma_start3A_117 = arith.constant 0 : i32
    %dma_start3A_118 = arith.constant 0 : i32
    %dma_start3A_119 = tpu.memref_slice %arg4[%add3A_106, %dma_start3A_117, %dma_start3A_118] : memref<8x16x4352xf32, #tpu.memory_space<vmem>> -> memref<1x16x4096xf32, #tpu.memory_space<vmem>>
    %dma_start3A_120 = tpu.memref_squeeze %dma_start3A_119 : memref<1x16x4096xf32, #tpu.memory_space<vmem>> -> memref<16x4096xf32, #tpu.memory_space<vmem>>
    tpu.enqueue_dma source(%dma_start3A_120 : memref<16x4096xf32, #tpu.memory_space<vmem>>) target(%dma_start3A_116 : memref<16x4096xf32, #tpu.memory_space<any>>) target_semaphore(%dma_start3A_112 : memref<!tpu.dma_semaphore, #tpu.memory_space<semaphore_mem>>)
    %mul3A_121 = arith.constant 4 : i32
    %mul3A_122 = arith.muli %arg0, %mul3A_121 : i32
    %add3A_123 = arith.constant 3 : i32
    %add3A_124 = arith.addi %mul3A_122, %add3A_123 : i32
    %add3A_125 = arith.constant 4217 : i32
    %add3A_126 = arith.addi %add3A_125, %add3A_124 : i32
    %rem3A_127 = arith.constant 4352 : i32
    %rem3A_128 = arith.remsi %add3A_126, %rem3A_127 : i32
    %get3A_129 = arith.constant 0 : index
    %get3A_130 = arith.constant 0 : index
    %get3A_131 = vector.load %arg3[%get3A_129, %get3A_130] : memref<16x4352xf32, #tpu.memory_space<vmem>>, vector<16x4352xf32>
    %roll3A_132 = tpu.dynamic_rotate %get3A_131 by %rem3A_128 dim 1 : vector<16x4352xf32>, i32 -> vector<16x4352xf32>
    %mul3A_133 = arith.constant 4 : i32
    %mul3A_134 = arith.muli %rem3A_0, %mul3A_133 : i32
    %add3A_135 = arith.constant 3 : i32
    %add3A_136 = arith.addi %mul3A_134, %add3A_135 : i32
    %swap3A_137 = arith.index_cast %add3A_136 : i32 to index
    %swap3A_138 = arith.constant 0 : index
    %swap3A_139 = arith.constant 0 : index
    %swap3A_140 = vector.load %arg4[%swap3A_137, %swap3A_138, %swap3A_139] : memref<8x16x4352xf32, #tpu.memory_space<vmem>>, vector<1x16x4352xf32>
    %swap3A_141 = vector.shape_cast %swap3A_140 : vector<1x16x4352xf32> to vector<16x4352xf32>
    %swap3A_142 = vector.shape_cast %roll3A_132 : vector<16x4352xf32> to vector<1x16x4352xf32>
    tpu.vector_store %arg4[%swap3A_137, %swap3A_138, %swap3A_139], %swap3A_142 {strides = array<i32>} : memref<8x16x4352xf32, #tpu.memory_space<vmem>>, vector<1x16x4352xf32>,
    %mul3A_143 = arith.constant 4 : i32
    %mul3A_144 = arith.muli %rem3A_0, %mul3A_143 : i32
    %add3A_145 = arith.constant 3 : i32
    %add3A_146 = arith.addi %mul3A_144, %add3A_145 : i32
    %mul3A_147 = arith.constant 4 : i32
    %mul3A_148 = arith.muli %arg0, %mul3A_147 : i32
    %add3A_149 = arith.constant 3 : i32
    %add3A_150 = arith.addi %mul3A_148, %add3A_149 : i32
    %dma_start3A_151 = tpu.memref_slice %arg5[%add3A_146] : memref<8x!tpu.dma_semaphore, #tpu.memory_space<semaphore_mem>> -> memref<1x!tpu.dma_semaphore, #tpu.memory_space<semaphore_mem>>
    %dma_start3A_152 = tpu.memref_squeeze %dma_start3A_151 : memref<1x!tpu.dma_semaphore, #tpu.memory_space<semaphore_mem>> -> memref<!tpu.dma_semaphore, #tpu.memory_space<semaphore_mem>>
    %dma_start3A_153 = arith.constant 0 : i32
    %dma_start3A_154 = arith.constant 0 : i32
    %dma_start3A_155 = tpu.memref_slice %arg2[%dma_start3A_153, %add3A_150, %dma_start3A_154] : memref<16x136x4096xf32, #tpu.memory_space<any>> -> memref<16x1x4096xf32, #tpu.memory_space<any>>
    %dma_start3A_156 = tpu.memref_squeeze %dma_start3A_155 : memref<16x1x4096xf32, #tpu.memory_space<any>> -> memref<16x4096xf32, #tpu.memory_space<any>>
    %dma_start3A_157 = arith.constant 0 : i32
    %dma_start3A_158 = arith.constant 0 : i32
    %dma_start3A_159 = tpu.memref_slice %arg4[%add3A_146, %dma_start3A_157, %dma_start3A_158] : memref<8x16x4352xf32, #tpu.memory_space<vmem>> -> memref<1x16x4096xf32, #tpu.memory_space<vmem>>
    %dma_start3A_160 = tpu.memref_squeeze %dma_start3A_159 : memref<1x16x4096xf32, #tpu.memory_space<vmem>> -> memref<16x4096xf32, #tpu.memory_space<vmem>>
    tpu.enqueue_dma source(%dma_start3A_160 : memref<16x4096xf32, #tpu.memory_space<vmem>>) target(%dma_start3A_156 : memref<16x4096xf32, #tpu.memory_space<any>>) target_semaphore(%dma_start3A_152 : memref<!tpu.dma_semaphore, #tpu.memory_space<semaphore_mem>>)
    %eq3A_161 = arith.constant 33 : i32
    %eq3A_162 = arith.cmpi eq, %arg0, %eq3A_161 : i32
    %convert_element_type3A_163 = arith.extui %eq3A_162 : i1 to i32
    %cond3A_164 = arith.constant 0 : i32
    %cond3A_165 = arith.cmpi ne, %convert_element_type3A_163, %cond3A_164 : i32
    scf.if %cond3A_165 {
      %sub3A = arith.constant 1 : i32
      %sub3A_166 = arith.subi %sub3A, %rem3A_0 : i32
      %sub3A_167 = arith.constant 1 : i32
      %sub3A_168 = arith.subi %arg0, %sub3A_167 : i32
      %mul3A_169 = arith.constant 4 : i32
      %mul3A_170 = arith.muli %sub3A_166, %mul3A_169 : i32
      %add3A_171 = arith.constant 0 : i32
      %add3A_172 = arith.addi %mul3A_170, %add3A_171 : i32
      %mul3A_173 = arith.constant 4 : i32
      %mul3A_174 = arith.muli %sub3A_168, %mul3A_173 : i32
      %add3A_175 = arith.constant 0 : i32
      %add3A_176 = arith.addi %mul3A_174, %add3A_175 : i32
      %dma_wait3A = tpu.memref_slice %arg5[%add3A_172] : memref<8x!tpu.dma_semaphore, #tpu.memory_space<semaphore_mem>> -> memref<1x!tpu.dma_semaphore, #tpu.memory_space<semaphore_mem>>
      %dma_wait3A_177 = tpu.memref_squeeze %dma_wait3A : memref<1x!tpu.dma_semaphore, #tpu.memory_space<semaphore_mem>> -> memref<!tpu.dma_semaphore, #tpu.memory_space<semaphore_mem>>
      %dma_wait3A_178 = arith.constant 0 : i32
      %dma_wait3A_179 = arith.constant 0 : i32
      %dma_wait3A_180 = tpu.memref_slice %arg2[%dma_wait3A_178, %add3A_176, %dma_wait3A_179] : memref<16x136x4096xf32, #tpu.memory_space<any>> -> memref<16x1x4096xf32, #tpu.memory_space<any>>
      %dma_wait3A_181 = tpu.memref_squeeze %dma_wait3A_180 : memref<16x1x4096xf32, #tpu.memory_space<any>> -> memref<16x4096xf32, #tpu.memory_space<any>>
      %dma_wait3A_182 = arith.constant 0 : i32
      %dma_wait3A_183 = arith.constant 0 : i32
      %dma_wait3A_184 = tpu.memref_slice %arg4[%add3A_172, %dma_wait3A_182, %dma_wait3A_183] : memref<8x16x4352xf32, #tpu.memory_space<vmem>> -> memref<1x16x4096xf32, #tpu.memory_space<vmem>>
      %dma_wait3A_185 = tpu.memref_squeeze %dma_wait3A_184 : memref<1x16x4096xf32, #tpu.memory_space<vmem>> -> memref<16x4096xf32, #tpu.memory_space<vmem>>
      tpu.wait_dma2 semaphore(%dma_wait3A_177 : memref<!tpu.dma_semaphore, #tpu.memory_space<semaphore_mem>>) src(%dma_wait3A_185 : memref<16x4096xf32, #tpu.memory_space<vmem>>) dst(%dma_wait3A_181 : memref<16x4096xf32, #tpu.memory_space<any>>)
      %sub3A_186 = arith.constant 1 : i32
      %sub3A_187 = arith.subi %sub3A_186, %rem3A_0 : i32
      %sub3A_188 = arith.constant 1 : i32
      %sub3A_189 = arith.subi %arg0, %sub3A_188 : i32
      %mul3A_190 = arith.constant 4 : i32
      %mul3A_191 = arith.muli %sub3A_187, %mul3A_190 : i32
      %add3A_192 = arith.constant 1 : i32
      %add3A_193 = arith.addi %mul3A_191, %add3A_192 : i32
      %mul3A_194 = arith.constant 4 : i32
      %mul3A_195 = arith.muli %sub3A_189, %mul3A_194 : i32
      %add3A_196 = arith.constant 1 : i32
      %add3A_197 = arith.addi %mul3A_195, %add3A_196 : i32
      %dma_wait3A_198 = tpu.memref_slice %arg5[%add3A_193] : memref<8x!tpu.dma_semaphore, #tpu.memory_space<semaphore_mem>> -> memref<1x!tpu.dma_semaphore, #tpu.memory_space<semaphore_mem>>
      %dma_wait3A_199 = tpu.memref_squeeze %dma_wait3A_198 : memref<1x!tpu.dma_semaphore, #tpu.memory_space<semaphore_mem>> -> memref<!tpu.dma_semaphore, #tpu.memory_space<semaphore_mem>>
      %dma_wait3A_200 = arith.constant 0 : i32
      %dma_wait3A_201 = arith.constant 0 : i32
      %dma_wait3A_202 = tpu.memref_slice %arg2[%dma_wait3A_200, %add3A_197, %dma_wait3A_201] : memref<16x136x4096xf32, #tpu.memory_space<any>> -> memref<16x1x4096xf32, #tpu.memory_space<any>>
      %dma_wait3A_203 = tpu.memref_squeeze %dma_wait3A_202 : memref<16x1x4096xf32, #tpu.memory_space<any>> -> memref<16x4096xf32, #tpu.memory_space<any>>
      %dma_wait3A_204 = arith.constant 0 : i32
      %dma_wait3A_205 = arith.constant 0 : i32
      %dma_wait3A_206 = tpu.memref_slice %arg4[%add3A_193, %dma_wait3A_204, %dma_wait3A_205] : memref<8x16x4352xf32, #tpu.memory_space<vmem>> -> memref<1x16x4096xf32, #tpu.memory_space<vmem>>
      %dma_wait3A_207 = tpu.memref_squeeze %dma_wait3A_206 : memref<1x16x4096xf32, #tpu.memory_space<vmem>> -> memref<16x4096xf32, #tpu.memory_space<vmem>>
      tpu.wait_dma2 semaphore(%dma_wait3A_199 : memref<!tpu.dma_semaphore, #tpu.memory_space<semaphore_mem>>) src(%dma_wait3A_207 : memref<16x4096xf32, #tpu.memory_space<vmem>>) dst(%dma_wait3A_203 : memref<16x4096xf32, #tpu.memory_space<any>>)
      %sub3A_208 = arith.constant 1 : i32
      %sub3A_209 = arith.subi %sub3A_208, %rem3A_0 : i32
      %sub3A_210 = arith.constant 1 : i32
      %sub3A_211 = arith.subi %arg0, %sub3A_210 : i32
      %mul3A_212 = arith.constant 4 : i32
      %mul3A_213 = arith.muli %sub3A_209, %mul3A_212 : i32
      %add3A_214 = arith.constant 2 : i32
      %add3A_215 = arith.addi %mul3A_213, %add3A_214 : i32
      %mul3A_216 = arith.constant 4 : i32
      %mul3A_217 = arith.muli %sub3A_211, %mul3A_216 : i32
      %add3A_218 = arith.constant 2 : i32
      %add3A_219 = arith.addi %mul3A_217, %add3A_218 : i32
      %dma_wait3A_220 = tpu.memref_slice %arg5[%add3A_215] : memref<8x!tpu.dma_semaphore, #tpu.memory_space<semaphore_mem>> -> memref<1x!tpu.dma_semaphore, #tpu.memory_space<semaphore_mem>>
      %dma_wait3A_221 = tpu.memref_squeeze %dma_wait3A_220 : memref<1x!tpu.dma_semaphore, #tpu.memory_space<semaphore_mem>> -> memref<!tpu.dma_semaphore, #tpu.memory_space<semaphore_mem>>
      %dma_wait3A_222 = arith.constant 0 : i32
      %dma_wait3A_223 = arith.constant 0 : i32
      %dma_wait3A_224 = tpu.memref_slice %arg2[%dma_wait3A_222, %add3A_219, %dma_wait3A_223] : memref<16x136x4096xf32, #tpu.memory_space<any>> -> memref<16x1x4096xf32, #tpu.memory_space<any>>
      %dma_wait3A_225 = tpu.memref_squeeze %dma_wait3A_224 : memref<16x1x4096xf32, #tpu.memory_space<any>> -> memref<16x4096xf32, #tpu.memory_space<any>>
      %dma_wait3A_226 = arith.constant 0 : i32
      %dma_wait3A_227 = arith.constant 0 : i32
      %dma_wait3A_228 = tpu.memref_slice %arg4[%add3A_215, %dma_wait3A_226, %dma_wait3A_227] : memref<8x16x4352xf32, #tpu.memory_space<vmem>> -> memref<1x16x4096xf32, #tpu.memory_space<vmem>>
      %dma_wait3A_229 = tpu.memref_squeeze %dma_wait3A_228 : memref<1x16x4096xf32, #tpu.memory_space<vmem>> -> memref<16x4096xf32, #tpu.memory_space<vmem>>
      tpu.wait_dma2 semaphore(%dma_wait3A_221 : memref<!tpu.dma_semaphore, #tpu.memory_space<semaphore_mem>>) src(%dma_wait3A_229 : memref<16x4096xf32, #tpu.memory_space<vmem>>) dst(%dma_wait3A_225 : memref<16x4096xf32, #tpu.memory_space<any>>)
      %sub3A_230 = arith.constant 1 : i32
      %sub3A_231 = arith.subi %sub3A_230, %rem3A_0 : i32
      %sub3A_232 = arith.constant 1 : i32
      %sub3A_233 = arith.subi %arg0, %sub3A_232 : i32
      %mul3A_234 = arith.constant 4 : i32
      %mul3A_235 = arith.muli %sub3A_231, %mul3A_234 : i32
      %add3A_236 = arith.constant 3 : i32
      %add3A_237 = arith.addi %mul3A_235, %add3A_236 : i32
      %mul3A_238 = arith.constant 4 : i32
      %mul3A_239 = arith.muli %sub3A_233, %mul3A_238 : i32
      %add3A_240 = arith.constant 3 : i32
      %add3A_241 = arith.addi %mul3A_239, %add3A_240 : i32
      %dma_wait3A_242 = tpu.memref_slice %arg5[%add3A_237] : memref<8x!tpu.dma_semaphore, #tpu.memory_space<semaphore_mem>> -> memref<1x!tpu.dma_semaphore, #tpu.memory_space<semaphore_mem>>
      %dma_wait3A_243 = tpu.memref_squeeze %dma_wait3A_242 : memref<1x!tpu.dma_semaphore, #tpu.memory_space<semaphore_mem>> -> memref<!tpu.dma_semaphore, #tpu.memory_space<semaphore_mem>>
      %dma_wait3A_244 = arith.constant 0 : i32
      %dma_wait3A_245 = arith.constant 0 : i32
      %dma_wait3A_246 = tpu.memref_slice %arg2[%dma_wait3A_244, %add3A_241, %dma_wait3A_245] : memref<16x136x4096xf32, #tpu.memory_space<any>> -> memref<16x1x4096xf32, #tpu.memory_space<any>>
      %dma_wait3A_247 = tpu.memref_squeeze %dma_wait3A_246 : memref<16x1x4096xf32, #tpu.memory_space<any>> -> memref<16x4096xf32, #tpu.memory_space<any>>
      %dma_wait3A_248 = arith.constant 0 : i32
      %dma_wait3A_249 = arith.constant 0 : i32
      %dma_wait3A_250 = tpu.memref_slice %arg4[%add3A_237, %dma_wait3A_248, %dma_wait3A_249] : memref<8x16x4352xf32, #tpu.memory_space<vmem>> -> memref<1x16x4096xf32, #tpu.memory_space<vmem>>
      %dma_wait3A_251 = tpu.memref_squeeze %dma_wait3A_250 : memref<1x16x4096xf32, #tpu.memory_space<vmem>> -> memref<16x4096xf32, #tpu.memory_space<vmem>>
      tpu.wait_dma2 semaphore(%dma_wait3A_243 : memref<!tpu.dma_semaphore, #tpu.memory_space<semaphore_mem>>) src(%dma_wait3A_251 : memref<16x4096xf32, #tpu.memory_space<vmem>>) dst(%dma_wait3A_247 : memref<16x4096xf32, #tpu.memory_space<any>>)
      %mul3A_252 = arith.constant 4 : i32
      %mul3A_253 = arith.muli %rem3A_0, %mul3A_252 : i32
      %add3A_254 = arith.constant 0 : i32
      %add3A_255 = arith.addi %mul3A_253, %add3A_254 : i32
      %mul3A_256 = arith.constant 4 : i32
      %mul3A_257 = arith.muli %arg0, %mul3A_256 : i32
      %add3A_258 = arith.constant 0 : i32
      %add3A_259 = arith.addi %mul3A_257, %add3A_258 : i32
      %dma_wait3A_260 = tpu.memref_slice %arg5[%add3A_255] : memref<8x!tpu.dma_semaphore, #tpu.memory_space<semaphore_mem>> -> memref<1x!tpu.dma_semaphore, #tpu.memory_space<semaphore_mem>>
      %dma_wait3A_261 = tpu.memref_squeeze %dma_wait3A_260 : memref<1x!tpu.dma_semaphore, #tpu.memory_space<semaphore_mem>> -> memref<!tpu.dma_semaphore, #tpu.memory_space<semaphore_mem>>
      %dma_wait3A_262 = arith.constant 0 : i32
      %dma_wait3A_263 = arith.constant 0 : i32
      %dma_wait3A_264 = tpu.memref_slice %arg2[%dma_wait3A_262, %add3A_259, %dma_wait3A_263] : memref<16x136x4096xf32, #tpu.memory_space<any>> -> memref<16x1x4096xf32, #tpu.memory_space<any>>
      %dma_wait3A_265 = tpu.memref_squeeze %dma_wait3A_264 : memref<16x1x4096xf32, #tpu.memory_space<any>> -> memref<16x4096xf32, #tpu.memory_space<any>>
      %dma_wait3A_266 = arith.constant 0 : i32
      %dma_wait3A_267 = arith.constant 0 : i32
      %dma_wait3A_268 = tpu.memref_slice %arg4[%add3A_255, %dma_wait3A_266, %dma_wait3A_267] : memref<8x16x4352xf32, #tpu.memory_space<vmem>> -> memref<1x16x4096xf32, #tpu.memory_space<vmem>>
      %dma_wait3A_269 = tpu.memref_squeeze %dma_wait3A_268 : memref<1x16x4096xf32, #tpu.memory_space<vmem>> -> memref<16x4096xf32, #tpu.memory_space<vmem>>
      tpu.wait_dma2 semaphore(%dma_wait3A_261 : memref<!tpu.dma_semaphore, #tpu.memory_space<semaphore_mem>>) src(%dma_wait3A_269 : memref<16x4096xf32, #tpu.memory_space<vmem>>) dst(%dma_wait3A_265 : memref<16x4096xf32, #tpu.memory_space<any>>)
      %mul3A_270 = arith.constant 4 : i32
      %mul3A_271 = arith.muli %rem3A_0, %mul3A_270 : i32
      %add3A_272 = arith.constant 1 : i32
      %add3A_273 = arith.addi %mul3A_271, %add3A_272 : i32
      %mul3A_274 = arith.constant 4 : i32
      %mul3A_275 = arith.muli %arg0, %mul3A_274 : i32
      %add3A_276 = arith.constant 1 : i32
      %add3A_277 = arith.addi %mul3A_275, %add3A_276 : i32
      %dma_wait3A_278 = tpu.memref_slice %arg5[%add3A_273] : memref<8x!tpu.dma_semaphore, #tpu.memory_space<semaphore_mem>> -> memref<1x!tpu.dma_semaphore, #tpu.memory_space<semaphore_mem>>
      %dma_wait3A_279 = tpu.memref_squeeze %dma_wait3A_278 : memref<1x!tpu.dma_semaphore, #tpu.memory_space<semaphore_mem>> -> memref<!tpu.dma_semaphore, #tpu.memory_space<semaphore_mem>>
      %dma_wait3A_280 = arith.constant 0 : i32
      %dma_wait3A_281 = arith.constant 0 : i32
      %dma_wait3A_282 = tpu.memref_slice %arg2[%dma_wait3A_280, %add3A_277, %dma_wait3A_281] : memref<16x136x4096xf32, #tpu.memory_space<any>> -> memref<16x1x4096xf32, #tpu.memory_space<any>>
      %dma_wait3A_283 = tpu.memref_squeeze %dma_wait3A_282 : memref<16x1x4096xf32, #tpu.memory_space<any>> -> memref<16x4096xf32, #tpu.memory_space<any>>
      %dma_wait3A_284 = arith.constant 0 : i32
      %dma_wait3A_285 = arith.constant 0 : i32
      %dma_wait3A_286 = tpu.memref_slice %arg4[%add3A_273, %dma_wait3A_284, %dma_wait3A_285] : memref<8x16x4352xf32, #tpu.memory_space<vmem>> -> memref<1x16x4096xf32, #tpu.memory_space<vmem>>
      %dma_wait3A_287 = tpu.memref_squeeze %dma_wait3A_286 : memref<1x16x4096xf32, #tpu.memory_space<vmem>> -> memref<16x4096xf32, #tpu.memory_space<vmem>>
      tpu.wait_dma2 semaphore(%dma_wait3A_279 : memref<!tpu.dma_semaphore, #tpu.memory_space<semaphore_mem>>) src(%dma_wait3A_287 : memref<16x4096xf32, #tpu.memory_space<vmem>>) dst(%dma_wait3A_283 : memref<16x4096xf32, #tpu.memory_space<any>>)
      %mul3A_288 = arith.constant 4 : i32
      %mul3A_289 = arith.muli %rem3A_0, %mul3A_288 : i32
      %add3A_290 = arith.constant 2 : i32
      %add3A_291 = arith.addi %mul3A_289, %add3A_290 : i32
      %mul3A_292 = arith.constant 4 : i32
      %mul3A_293 = arith.muli %arg0, %mul3A_292 : i32
      %add3A_294 = arith.constant 2 : i32
      %add3A_295 = arith.addi %mul3A_293, %add3A_294 : i32
      %dma_wait3A_296 = tpu.memref_slice %arg5[%add3A_291] : memref<8x!tpu.dma_semaphore, #tpu.memory_space<semaphore_mem>> -> memref<1x!tpu.dma_semaphore, #tpu.memory_space<semaphore_mem>>
      %dma_wait3A_297 = tpu.memref_squeeze %dma_wait3A_296 : memref<1x!tpu.dma_semaphore, #tpu.memory_space<semaphore_mem>> -> memref<!tpu.dma_semaphore, #tpu.memory_space<semaphore_mem>>
      %dma_wait3A_298 = arith.constant 0 : i32
      %dma_wait3A_299 = arith.constant 0 : i32
      %dma_wait3A_300 = tpu.memref_slice %arg2[%dma_wait3A_298, %add3A_295, %dma_wait3A_299] : memref<16x136x4096xf32, #tpu.memory_space<any>> -> memref<16x1x4096xf32, #tpu.memory_space<any>>
      %dma_wait3A_301 = tpu.memref_squeeze %dma_wait3A_300 : memref<16x1x4096xf32, #tpu.memory_space<any>> -> memref<16x4096xf32, #tpu.memory_space<any>>
      %dma_wait3A_302 = arith.constant 0 : i32
      %dma_wait3A_303 = arith.constant 0 : i32
      %dma_wait3A_304 = tpu.memref_slice %arg4[%add3A_291, %dma_wait3A_302, %dma_wait3A_303] : memref<8x16x4352xf32, #tpu.memory_space<vmem>> -> memref<1x16x4096xf32, #tpu.memory_space<vmem>>
      %dma_wait3A_305 = tpu.memref_squeeze %dma_wait3A_304 : memref<1x16x4096xf32, #tpu.memory_space<vmem>> -> memref<16x4096xf32, #tpu.memory_space<vmem>>
      tpu.wait_dma2 semaphore(%dma_wait3A_297 : memref<!tpu.dma_semaphore, #tpu.memory_space<semaphore_mem>>) src(%dma_wait3A_305 : memref<16x4096xf32, #tpu.memory_space<vmem>>) dst(%dma_wait3A_301 : memref<16x4096xf32, #tpu.memory_space<any>>)
      %mul3A_306 = arith.constant 4 : i32
      %mul3A_307 = arith.muli %rem3A_0, %mul3A_306 : i32
      %add3A_308 = arith.constant 3 : i32
      %add3A_309 = arith.addi %mul3A_307, %add3A_308 : i32
      %mul3A_310 = arith.constant 4 : i32
      %mul3A_311 = arith.muli %arg0, %mul3A_310 : i32
      %add3A_312 = arith.constant 3 : i32
      %add3A_313 = arith.addi %mul3A_311, %add3A_312 : i32
      %dma_wait3A_314 = tpu.memref_slice %arg5[%add3A_309] : memref<8x!tpu.dma_semaphore, #tpu.memory_space<semaphore_mem>> -> memref<1x!tpu.dma_semaphore, #tpu.memory_space<semaphore_mem>>
      %dma_wait3A_315 = tpu.memref_squeeze %dma_wait3A_314 : memref<1x!tpu.dma_semaphore, #tpu.memory_space<semaphore_mem>> -> memref<!tpu.dma_semaphore, #tpu.memory_space<semaphore_mem>>
      %dma_wait3A_316 = arith.constant 0 : i32
      %dma_wait3A_317 = arith.constant 0 : i32
      %dma_wait3A_318 = tpu.memref_slice %arg2[%dma_wait3A_316, %add3A_313, %dma_wait3A_317] : memref<16x136x4096xf32, #tpu.memory_space<any>> -> memref<16x1x4096xf32, #tpu.memory_space<any>>
      %dma_wait3A_319 = tpu.memref_squeeze %dma_wait3A_318 : memref<16x1x4096xf32, #tpu.memory_space<any>> -> memref<16x4096xf32, #tpu.memory_space<any>>
      %dma_wait3A_320 = arith.constant 0 : i32
      %dma_wait3A_321 = arith.constant 0 : i32
      %dma_wait3A_322 = tpu.memref_slice %arg4[%add3A_309, %dma_wait3A_320, %dma_wait3A_321] : memref<8x16x4352xf32, #tpu.memory_space<vmem>> -> memref<1x16x4096xf32, #tpu.memory_space<vmem>>
      %dma_wait3A_323 = tpu.memref_squeeze %dma_wait3A_322 : memref<1x16x4096xf32, #tpu.memory_space<vmem>> -> memref<16x4096xf32, #tpu.memory_space<vmem>>
      tpu.wait_dma2 semaphore(%dma_wait3A_315 : memref<!tpu.dma_semaphore, #tpu.memory_space<semaphore_mem>>) src(%dma_wait3A_323 : memref<16x4096xf32, #tpu.memory_space<vmem>>) dst(%dma_wait3A_319 : memref<16x4096xf32, #tpu.memory_space<any>>)
    } else {
    }
    return
  }
  func.func @transform_0(%arg0: i32) -> (i32, i32) {
    %c0_i32 = arith.constant 0 : i32
    %c0_i32_0 = arith.constant 0 : i32
    %c0_i32_1 = arith.constant 0 : i32
    return %c0_i32, %c0_i32_0 : i32, i32
  }
}

</mosaic_0001>

<sc_bundles>
// kernel: kernel.4.cloned.1.call-start
scs
__scs_entry_jumppad:
0x0: {  	(pc) =	sbr.rel $0x88, $3  }
0x1: {  	(tag) =	ssettag $0x0;
	lr =	simm.s32 $0x1  }
0x2: {  	[smem:$0x3FA0] =	sst lr;
	_ =	strace $0xD0000000  }
0x3: {  	_ = 	snop  }
0x4: {  	_ = 	snop  }
0x5: {  	_ = 	snop  }
0x6: {  	_ = 	snop  }
0x7: {  	_ = 	snop  }
__scs_overlays_trampoline_lowered:
0x8: {  	[smem:$0x3FAF] =	sst s0  }
0x9: {  	[smem:$0x3FB0] =	sst s1  }
0xa: {  	[smem:$0x3FB1] =	sst s2  }
0xb: {  	[smem:$0x3FB2] =	sst s3  }
0xc: {  	[smem:$0x3FB3] =	sst s4  }
0xd: {  	[smem:$0x3FB4] =	sst s5  }
0xe: {  	[smem:$0x3FB5] =	sst s6  }
0xf: {  	[smem:$0x3FB6] =	sst s7  }
0x10: {  	[smem:$0x3FB7] =	sst s8  }
0x11: {  	[smem:$0x3FB8] =	sst s9;
	s0 =	simm.s32 @!p0 $0x0  }
0x12: {  	s1 =	sld [smem:$0x3F9E];
	s0 =	simm.s32 @p0 $0x1  }
0x13: {  	[smem:$0x3FB9] =	sst s0;
	s0 =	simm.s32 @!p1 $0x0  }
0x14: {  	s2 =	sld [smem:$0x3F9D];
	s0 =	simm.s32 @p1 $0x1  }
0x15: {  	[smem:$0x3FBA] =	sst s0;
	s0 =	simm.s32 @!p2 $0x0  }
0x16: {  	s3 =	sld [smem:$0x3FDB];
	s0 =	simm.s32 @p2 $0x1  }
0x17: {  	s4 =	simm.s32 $0x1BF5;
	[smem:$0x3FBC] =	sst s0  }
0x18: {  	s0 =	sld [smem:$0x3F9F];
	_ =	swait.ge [sflag:s4], $0x0  }
0x19: {  	s7 =	sld [smem:$0x3FA0]  }
0x1a: {  	s8 =	sadd.s32 $0xFFFFE003, lr  }
0x1b: {  	s9 =	sadd.s32 $0xFFFFFEF7, lr;
	s5 =	simm.s32 $0xFFFFFFFF;
	p2 =	slt.u32 s8, $0xFFFFF086  }
0x1c: {  	p1 =	slt.u32 s9, $0xF7A;
	s5 =	simm.s32 @!p2 $0x0  }
0x1d: {  	s5 =	simm.s32 @p1 $0x1;
	p0 =	seq.s32 s7, s2  }
0x1e: {  	s7 =	smul.u32 @!p0 $0xF7A, s2;
	p2 =	seq.s32 @!p0 s5, $0x0  }
0x1f: {  	s9 =	smul.u32 $0xF7A, s1;
	s8 =	simm.s32 @!p0 $0x1BF5;
	p2 =	por !p2, p0  }
0x20: {  	[sflag:s8] =	ssyncset.s32 @!p0 $0xFFFFF086;
	s6 =	sadd.s32 @!p0 s3, s7;
	s7 =	simm.s32 @!p0 $0x108  }
0x21: {  	s3 =	sadd.s32 s3, s9;
	s6 =	sadd.s32 @!p0 $0x88, s6;
	s7 =	simm.s32 @p2 $0x1082  }
0x22: {  	[simem:s7], [sflag:s8] =	dma.local @!p0 [hbm:s6], $0xF7A  }
0x23: {  	s9 =	sor.u32 $0xD0000000, s2;
	s6 =	simm.s32 $0x108;
	_ =	swait.ge @!p0 [sflag:s8], $0x0  }
0x24: {  	s3 =	sadd.s32 $0x88, s3;
	s6 =	simm.s32 @!p1 $0x1082;
	[sflag:s4] =	ssyncset.s32 $0xFFFFF086  }
0x25: {  	[simem:s6], [sflag:s4] =	dma.local [hbm:s3], $0xF7A  }
0x26: {  	[smem:$0x3FA0] =	sst s1;
	(tag) =	ssettag s2;
	_ =	strace s9  }
0x27: {  	s1 =	sld [smem:$0x3FB0]  }
0x28: {  	s2 =	sld [smem:$0x3FB1]  }
0x29: {  	s4 =	sld [smem:$0x3FB3]  }
0x2a: {  	p0 =	seq.s32 s5, $0x0;
	s5 =	sld [smem:$0x3FB4]  }
0x2b: {  	s6 =	sld [smem:$0x3FB5]  }
0x2c: {  	s7 =	sld [smem:$0x3FB6]  }
0x2d: {  	s3 =	simm.s32 $0x108;
	s8 =	sld [smem:$0x3FB7]  }
0x2e: {  	s3 =	simm.s32 @!p0 $0x1082;
	s9 =	sld [smem:$0x3FB8]  }
0x2f: {  	lr =	sadd.s32 s0, s3;
	s0 =	sld [smem:$0x3FAF]  }
0x30: {  	s3 =	sld [smem:$0x3FB2]  }
0x31: {  	[smem:$0x3FBB] =	sst s10  }
0x32: {  	s10 =	sld [smem:$0x3FB9];
	_ =	sdelay $0x3  }
0x33: {  	p0 =	seq.s32 s10, $0x1;
	s10 =	sld [smem:$0x3FBB];
	_ =	sdelay $0x3  }
0x34: {  	[smem:$0x3FBB] =	sst s10  }
0x35: {  	s10 =	sld [smem:$0x3FBA];
	_ =	sdelay $0x3  }
0x36: {  	p1 =	seq.s32 s10, $0x1;
	s10 =	sld [smem:$0x3FBB];
	_ =	sdelay $0x3  }
0x37: {  	[smem:$0x3FBB] =	sst s10  }
0x38: {  	s10 =	sld [smem:$0x3FBC]  }
0x39: {  	_ = 	snop;
	(pc) =	sbr.ind lr, $3  }
0x3a: {  	_ = 	snop  }
0x3b: {  	_ = 	snop  }
0x3c: {  	p2 =	seq.s32 s10, $0x1;
	s10 =	sld [smem:$0x3FBB]  }
0x3d: {  	_ =	shalt  }
0x3e: {  	_ =	shalt  }
0x3f: {  	_ =	shalt  }
0x40: {  	_ =	shalt  }
0x41: {  	_ =	shalt  }
0x42: {  	_ =	shalt  }
0x43: {  	_ =	shalt  }
0x44: {  	_ =	shalt  }
0x45: {  	_ =	shalt  }
0x46: {  	_ =	shalt  }
0x47: {  	_ =	shalt  }
0x48: {  	_ =	shalt  }
0x49: {  	_ =	shalt  }
0x4a: {  	_ =	shalt  }
0x4b: {  	_ =	shalt  }
0x4c: {  	_ =	shalt  }
0x4d: {  	_ =	shalt  }
0x4e: {  	_ =	shalt  }
0x4f: {  	_ =	shalt  }
0x50: {  	_ =	shalt  }
0x51: {  	_ =	shalt  }
0x52: {  	_ =	shalt  }
0x53: {  	_ =	shalt  }
0x54: {  	_ =	shalt  }
0x55: {  	_ =	shalt  }
0x56: {  	_ =	shalt  }
0x57: {  	_ =	shalt  }
0x58: {  	_ =	shalt  }
0x59: {  	_ =	shalt  }
0x5a: {  	_ =	shalt  }
0x5b: {  	_ =	shalt  }
0x5c: {  	_ =	shalt  }
0x5d: {  	_ =	shalt  }
0x5e: {  	_ =	shalt  }
0x5f: {  	_ =	shalt  }
0x60: {  	_ =	shalt  }
0x61: {  	_ =	shalt  }
0x62: {  	_ =	shalt  }
0x63: {  	_ =	shalt  }
0x64: {  	_ =	shalt  }
0x65: {  	_ =	shalt  }
0x66: {  	_ =	shalt  }
0x67: {  	_ =	shalt  }
0x68: {  	_ =	shalt  }
0x69: {  	_ =	shalt  }
0x6a: {  	_ =	shalt  }
0x6b: {  	_ =	shalt  }
0x6c: {  	_ =	shalt  }
0x6d: {  	_ =	shalt  }
0x6e: {  	_ =	shalt  }
0x6f: {  	_ =	shalt  }
0x70: {  	_ =	shalt  }
0x71: {  	_ =	shalt  }
0x72: {  	_ =	shalt  }
0x73: {  	_ =	shalt  }
0x74: {  	_ =	shalt  }
0x75: {  	_ =	shalt  }
0x76: {  	_ =	shalt  }
0x77: {  	_ =	shalt  }
0x78: {  	_ =	shalt  }
0x79: {  	_ =	shalt  }
0x7a: {  	_ =	shalt  }
0x7b: {  	_ =	shalt  }
0x7c: {  	_ =	shalt  }
0x7d: {  	_ =	shalt  }
0x7e: {  	_ =	shalt  }
0x7f: {  	_ =	shalt  }
0x80: {  	_ =	shalt  }
0x81: {  	_ =	shalt  }
0x82: {  	_ =	shalt  }
0x83: {  	_ =	shalt  }
0x84: {  	_ =	shalt  }
0x85: {  	_ =	shalt  }
0x86: {  	_ =	shalt  }
0x87: {  	_ =	shalt  }
.Lfunc_end0:
.L_simem_size_0:
called_computation_lowered:
.L_overlay_start_0:
0x88: {  	s2 =	sld [smem:$0x3FD9]  }
0x89: {  	s3 =	sld [smem:$0x3FFE];
	_ =	sdelay $0x1  }
0x8a: {  	s1 =	srdreg.scid  }
0x8b: {  	s0 =	sand.u32 $0x1, s1  }
0x8c: {  	s17 =	sshll.u32 s0, $0xA;
	s2 =	sadd.s32 s3, s2  }
0x8d: {  	s2 =	sadd.s32 s2, s17  }
0x8e: {  	[smem:$0x3FC7] =	sst s2  }
0x8f: {  	_ = 	snop  }
0x90: {  	s2 =	sld [smem:$0x3FD0];
	(tm) =	ssettm $0x1  }
0x91: {  	s18 =	sld [smem:$0x3FFB];
	_ =	sdelay $0x3  }
0x92: {  	_ =	strace s18  }
0x93: {  	s3 =	sld [smem:$0x3FFC];
	_ =	sdelay $0x3  }
0x94: {  	_ =	strace s3  }
0x95: {  	s3 =	sld [smem:$0x3FFD];
	_ =	sdelay $0x3  }
0x96: {  	_ =	strace s3  }
0x97: {  	_ =	strace $0x8FFFFFFF  }
0x98: {  	s19 =	sld [smem:$0x3FDB];
	_ =	sdelay $0x1  }
0x99: {  	s4 =	simm.s32 $_scs_section_size  }
0x9a: {  	s5 =	simm.s32 $_size__tile_overlayer_lowered;
	s6 =	simm.s32 $_tile_overlayer_lowered  }
0x9b: {  	s22 =	simm.s32 $0x1BFF;
	s21 =	sshll.u32 s6, $0x1;
	s3 =	sadd.s32 s4, s19  }
0x9c: {  	s7 =	simm.s32 $0x0;
	s20 =	sshll.u32 s5, $0x1;
	s5 =	sadd.s32 s21, s3  }
0x9d: {  	[timem:s7], [sflag:s22] =	dma.local [hbm:s5], s20  }
0x9e: {  	_ =	swait.ge [sflag:s22], s20  }
0x9f: {  	s4 =	ssub.s32 $0x0, s20;
	[sflag:s22] =	ssyncset.done $0x0  }
0xa0: {  	[sflag:s22] =	ssyncadd.s32 s4;
	_ =	sdelay $0x1  }
0xa1: {  	s23 =	simm.s32 $0x1B8B  }
0xa2: {  	_ =	swait.ge [sflag:s23], $0x1  }
0xa3: {  	[sflag:s23] =	ssyncset.done $0x0  }
0xa4: {  	s25 =	simm.s32 $0x1B8E;
	s24 =	sld [smem:$0x3FFE];
	[sflag:s23] =	ssyncadd.s32 $0xFFFFFFFF  }
0xa5: {  	s26 =	simm.s32 $execute0_lowered;
	[smem:$0x3FD2] =	sst s25  }
0xa6: {  	s5 =	sshll.u32 s26, $0x1;
	_ =	strace $0x80000046;
	[dreg:$0x1] =	wrdreg $0xFFFFFFFF  }
0xa7: {  	s28 =	simm.s32 $_size_execute0_lowered;
	s3 =	sadd.s32 s3, s5;
	[dreg:$0x0] =	wrdreg $0x0  }
0xa8: {  	s5 =	sshll.u32 s28, $0x1;
	[dreg:$0x2] =	wrdreg s3  }
0xa9: {  	[dreg:$0x3] =	wrdreg s5  }
0xaa: {  	[dreg:$0x4] =	wrdreg $0xC0  }
0xab: {  	_ =	task [dreg:s7], $0x5FFFF  }
0xac: {  	[dreg:$0x1] =	wrdreg $0xFFFFFFFF  }
0xad: {  	[dreg:$0x0] =	wrdreg $0x60  }
0xae: {  	[dreg:$0x2] =	wrdreg s24  }
0xaf: {  	[dreg:$0x3] =	wrdreg s2  }
0xb0: {  	[dreg:$0x4] =	wrdreg $0x9  }
0xb1: {  	_ =	task.clear_ibuf [dreg:s7], $0x5FFFF;
	_ =	strace $0x90000046  }
0xb2: {  	s29 =	simm.s32 $0x9;
	_ =	strace $0x80000048  }
0xb3: {  	_ =	swait.ge [sflag:s29], $0x1  }
0xb4: {  	[sflag:s29] =	ssyncadd.s32 $0xFFFFFFFF  }
0xb5: {  	_ =	strace $0x90000048  }
0xb6: {  	_ =	sfence  }
0xb7: {  	s30 =	sld [smem:$0x0];
	_ =	sdelay $0x2  }
0xb8: {  	s31 =	sshll.u32 s1, $0xD;
	s1 =	sshrl.u32 s1, $0x2  }
0xb9: {  	s3 =	sand.u32 $0x4000, s31;
	s1 =	sadd.s32 s1, s30  }
0xba: {  	s0 =	sor.u32 s3, s0;
	s1 =	sshll.u32 s1, $0x11  }
0xbb: {  	s0 =	sor.u32 s1, s0  }
0xbc: {  	s0 =	sadd.s32 $0x8F2B, s0  }
0xbd: {  	[sflag:s0] =	ssyncadd.remote.s32 $0x1  }
0xbe: {  	_ =	sfence.sel $0xFFFF  }
0xbf: {  	[dreg:$0x0] =	wrdreg $0xFFFFFFFF;
	(pc) =	sbr.abs _section_cstart, $3  }
0xc0: {  	[dreg:$0x1] =	wrdreg $0xFFFFFFFF  }
0xc1: {  	_ =	task.clear_ibuf [dreg:s7], $0x2FFFF;
	_ =	strace $0x9FFFFFFF  }
0xc2: {  	(tm) =	ssettm $0x7FFFFFFF  }
0xc3: {  	_ =	shalt  }
tec
execute0_lowered:
.L_overlay_start_1:
0x0: {  	(tag) =	ssettag $0x1  }
0x1: {  	s0 =	srdreg.scid;
	s3 =	rddreg [dreg:$0x0]  }
0x2: {  	s6 =	rddreg [dreg:$0x1];
	s2 =	simm.s32 $0x0;
	s13 =	simm.s32 $0x4  }
0x3: {  	s14 =	simm.s32 $0x0;
	s4 =	sand.u32 $0x1, s0;
	s0 =	stileid.u32  }
0x4: {  	s3 =	sadd.s32 $0x400, s3;
	[smem:$0x7FF] =	sst s2;
	s1 =	sshll.u32 s4, $0x4  }
0x5: {  	s8 =	sand.u32 $0x3, s0;
	s4 =	ssub.s32 $0x2, s4;
	s1 =	sor.u32 s0, s1  }
0x6: {  	s10 =	sshll.u32 s8, $0x9;
	s12 =	sshrl.u32 s4, $0x1;
	s30 =	sshll.u32 s8, $0x15  }
0x7: {  	s8 =	sshll.u32 s8, $0x11;
	s7 =	sshrl.u32 s1, $0x2;
	s1 =	rddreg [dreg:$0x2]  }
0x8: {  	s11 =	ssub.s32 s3, s10;
	_ =	strace $0x80000047;
	s29 =	ssub.s32 s4, s12  }
0x9: {  	s12 =	simm.s32 $0x6;
	s9 =	smul.u32 $0x110000, s7;
	s7 =	sshll.u32 s7, $0x14  }
0xa: {  	s31 =	sadd.s32 s7, s6;
	s7 =	ssub.s32 $0x868, s10;
	s10 =	simm.s32 $0x88000  }
0xb: {  	s5 =	sshrl.u32 s9, $0x3;
	s9 =	sadd.s32 s9, s30;
	s8 =	sadd.s32 s8, s31  }
0xc: {  	s5 =	sadd.s32 s5, s11;
	s6 =	sadd.s32 $0xFF810000, s9;
	s9 =	simm.s32 $0x4000  }
0xd: {  	s11 =	simm.s32 $0x400000;
	s4 =	sadd.s32 $0x1800, s5;
	s5 =	smax.u32 s29, $0x1  }
.LBB2_1:
0xe: {  	[tilespmem:s2], [sflag:$0x1] =	stream.strided.gather [hbm4b:s4+s9], $0x8000, s10, s9, $0x38;
	[tilespmem:$0x18000] =	vst v63  }
0xf: {  	s15 =	smov.u32 s8  }
0x10: {  	s16 =	smov.u32 s7;
	s17 =	smov.u32 s6;
	s19 =	simm.s32 $0x0  }
.LBB2_2:
0x11: {  	s20 =	smul.u32 $0xAB, s19;
	_ =	sdelay $0x1  }
0x12: {  	s18 =	sadd.s32 $0xAB, s20  }
0x13: {  	s18 =	sshrl.u32 s18, $0x9  }
0x14: {  	s18 =	sand.u32 $0x7F, s18  }
0x15: {  	s21 =	smul.u32 $0x3, s18  }
0x16: {  	s28 =	sadd.s32 $0x1, s19  }
0x17: {  	s21 =	ssub.s32 s28, s21  }
0x18: {  	p0 =	slt.u32 s19, $0x2;
	s21 =	sand.u32 $0xFF, s21  }
0x19: {  	s22 =	sadd.s32 @!p0 $0x4, s21  }
0x1a: {  	p1 =	seq.s32 @!p0 s19, $0x3F;
	s20 =	sshrl.u32 s20, $0x9;
	_ =	swait.ge @!p0 [sflag:s22], $0x8000  }
0x1b: {  	p1 =	por p0, !p1;
	s20 =	sand.u32 $0x7F, s20;
	[sflag:s22] =	ssyncset.done @!p0 $0x0  }
0x1c: {  	s20 =	smul.u32 $0x3, s20;
	[sflag:s22] =	ssyncadd.s32 @!p0 $0xFFFF8000;
	s22 =	sshrl.u32 @p1 s16, $0x7  }
0x1d: {  	s22 =	smul.u32 @p1 $0x80400, s22  }
0x1e: {  	s29 =	ssub.s32 s19, s20  }
0x1f: {  	s19 =	sand.u32 $0xFF, s29;
	s22 =	sadd.s32 @p1 s22, s17  }
0x20: {  	s30 =	sadd.s32 $0x1, s19;
	s23 =	sshll.u32 @p1 s21, $0xF;
	s22 =	sshrl.u32 @p1 s22, $0x3  }
0x21: {  	s21 =	sadd.s32 @p1 $0x1, s21;
	p0 =	sne.s32 s28, $0x40;
	s22 =	sadd.s32 @p1 s3, s22  }
0x22: {  	[tilespmem:s23], [sflag:s21] =	stream.strided.gather @p1 [hbm4b:s22+s9], $0x8000, s10, s9, $0x38;
	[tilespmem:$0x18000] =	vst v63  }
.Ltmp0:
0x23: {  	_ =	swait.ge [sflag:s30], $0x8000;
	(pc) =	sbr.rel @p0 .LBB2_2-.Ltmp0, $4  }
0x24: {  	s31 =	sadd.s32 $0x4, s19;
	[sflag:s30] =	ssyncset.done $0x0  }
0x25: {  	s19 =	sshll.u32 s19, $0xF;
	s16 =	sadd.s32 $0xFFFFFFF8, s16;
	[sflag:s30] =	ssyncadd.s32 $0xFFFF8000  }
0x26: {  	[hbm4b:s15+s9] =	stream.strided.scatter [tilespmem:s19], [sflag:s31], $0x8000, s11, s9, $0x38;
	[tilespmem:$0x18000] =	vst v63  }
0x27: {  	s17 =	sadd.s32 $0x8000, s17;
	s15 =	sadd.s32 $0x800, s15;
	s19 =	smov.u32 s28  }
0x28: {  	s14 =	sadd.s32 $0x1, s14  }
0x29: {  	_ =	swait.ge [sflag:s12], $0x8000;
	p0 =	sne.s32 s14, s5  }
.Ltmp1:
0x2a: {  	[sflag:s12] =	ssyncset.done $0x0;
	(pc) =	sbr.rel @p0 .LBB2_1-.Ltmp1, $4  }
0x2b: {  	[sflag:s12] =	ssyncadd.s32 $0xFFFF8000  }
0x2c: {  	_ =	swait.ge [sflag:s13], $0x8000  }
0x2d: {  	[sflag:s13] =	ssyncset.done $0x0  }
0x2e: {  	[sflag:s13] =	ssyncadd.s32 $0xFFFF8000  }
0x2f: {  	_ =	sfence.sel $0x180000  }
0x30: {  	[bflag:$0x0] =	sbarrier.arrive $0xFFFF  }
0x31: {  	p0 =	sne.s32 s0, $0x0;
	_ =	strace $0x90000047  }
0x32: {  	s0 =	sadd.s32 @!p0 $0x100000, s1;
	[bflag:$0x2] =	sbarrier.arrive $0xFFFF  }
0x33: {  	[sflag:s0] =	ssyncadd.tile.s32 @!p0 $0x1;
	_ =	shalt  }
.Lfunc_end2:
_tile_overlayer_lowered:
.L_overlay_start_2:
0x34: {  	(tag) =	ssettag $0x2  }
0x35: {  	s0 =	rddreg [dreg:$0x0];
	s2 =	stileid.u32  }
0x36: {  	s1 =	rddreg [dreg:$0x1];
	p0 =	sne.s32 s2, $0x0  }
0x37: {  	s3 =	rddreg [dreg:$0x2];
	[bflag:$0x3] =	sbarrier.arrive $0xFFFF;
	s2 =	simm.s32 @!p0 $0x1C07  }
0x38: {  	[timem:s3], [sflag:s2] =	dma.local @!p0 [hbm:s0], s1  }
0x39: {  	s0 =	simm.s32 @!p0 $0x7  }
0x3a: {  	_ =	swait.ge @!p0 [sflag:s0], s1  }
0x3b: {  	s1 =	ssub.s32 @!p0 $0x0, s1;
	[sflag:s0] =	ssyncset.done @!p0 $0x0  }
0x3c: {  	[sflag:s0] =	ssyncadd.s32 @!p0 s1  }
0x3d: {  	[bflag:$0x3] =	sbarrier.arrive $0xFFFF  }
0x3e: {  	_ =	shalt  }

</sc_bundles>
